<compile_context>
chip_gen: v7x
topology: tpu7x:2x2x1
jax: 0.10.2.dev20260603
libtpu: 0.0.44.dev20260713+nightly
codegen_flags: <defaults>
</compile_context>

<pallas_src>
import functools

import jax
import jax.numpy as jnp
from jax import lax
from jax.experimental import pallas as pl
from jax.experimental.pallas import tpu as pltpu
from jax.experimental.pallas import tpu_sc as plsc

_NC = 2
_NS = 16
_NW = _NC * _NS


@functools.lru_cache(maxsize=None)
def _make_gather(BT, S, D, C, NBUF=6):
    B = BT * S
    nch = B // (_NW * C)
    b_per_w = B // _NW
    assert S % b_per_w == 0
    mesh = plsc.VectorSubcoreMesh(core_axis_name="c", subcore_axis_name="s")

    @functools.partial(
        pl.kernel,
        out_type=jax.ShapeDtypeStruct((BT, S, D), jnp.float32),
        mesh=mesh,
        scratch_types=[
            pltpu.VMEM((b_per_w,), jnp.int32),
        ] + [pltpu.VMEM((C, D), jnp.float32) for _ in range(NBUF)]
          + [pltpu.SemaphoreType.DMA for _ in range(2 * NBUF)],
    )
    def k(table_hbm, idx_hbm, out_hbm, idx_v, *rest):
        bufs = rest[:NBUF]
        gsems = rest[NBUF:2 * NBUF]
        ssems = rest[2 * NBUF:]
        wid = lax.axis_index("s") * _NC + lax.axis_index("c")
        base = wid * b_per_w
        bt = base // S
        col = base % S
        pltpu.sync_copy(idx_hbm.at[bt, pl.ds(col, b_per_w)], idx_v)
        LA = 2
        gath = [None] * nch
        scat = [None] * nch
        for j in range(nch + LA):
            if j < nch:
                s = j % NBUF
                if j >= NBUF:
                    scat[j - NBUF].wait()
                gath[j] = pltpu.async_copy(
                    table_hbm.at[idx_v.at[pl.ds(j * C, C)]], bufs[s], gsems[s])
            if j >= LA:
                p = j - LA
                gath[p].wait()
                scat[p] = pltpu.async_copy(
                    bufs[p % NBUF], out_hbm.at[bt, pl.ds(col + p * C, C)],
                    ssems[p % NBUF])
        for p in range(max(0, nch - NBUF), nch):
            scat[p].wait()

    return k


def kernel(x, embedding_weight):
    bt, s = x.shape
    d = embedding_weight.shape[1]
    return _make_gather(bt, s, d, 16)(embedding_weight, x.astype(jnp.int32))

# --- scband reference (transcript-rebuilt; emitter-appended) ---
"""Pipeline reference for scband-struct-encoder-30923764531968 (READ-ONLY COPY).

The authoritative reference and input builder live on the scoring server;
editing this copy changes nothing except your own understanding.
"""

import jax, jax.numpy as jnp
import numpy as np

D_MODEL = 1024
N_TOKENS = 4096
BATCH = 4
SEQ = 2048


def setup_inputs(seed: int = 0) -> dict:
    key = jax.random.key(seed)
    k1, k2 = jax.random.split(key)
    x = jax.random.randint(k1, (BATCH, SEQ), 0, N_TOKENS, dtype=jnp.int64 if jax.config.jax_enable_x64 else jnp.int32)
    embedding_weight = jax.random.normal(k2, (N_TOKENS, D_MODEL), dtype=jnp.float32)
    return {"x": x, "embedding_weight": embedding_weight}


def reference(x, embedding_weight):
    # StructEncoder.forward: self.embedding(x) -> table gather
    return jnp.take(embedding_weight, x, axis=0)

if __name__ == "__main__":
    import jax
    _d = setup_inputs()
    print(jax.jit(kernel)(*tuple(_d.values())))

</pallas_src>

<mosaic_0001>
#map = affine_map<(d0, d1) -> (0, 0)>
#map1 = affine_map<(d0, d1) -> (0, 0, 0)>
module attributes {stable_mosaic.version = 14 : i64} {
  func.func @k(%arg0: i32, %arg1: i32, %arg2: memref<4096x1024xf32, #tpu.memory_space<hbm>>, %arg3: memref<4x2048xi32, #tpu.memory_space<hbm>>, %arg4: memref<4x2048x1024xf32, #tpu.memory_space<hbm>>, %arg5: memref<256xi32, #tpu.memory_space<vmem>>, %arg6: memref<16x1024xf32, #tpu.memory_space<vmem>>, %arg7: memref<16x1024xf32, #tpu.memory_space<vmem>>, %arg8: memref<16x1024xf32, #tpu.memory_space<vmem>>, %arg9: memref<16x1024xf32, #tpu.memory_space<vmem>>, %arg10: memref<16x1024xf32, #tpu.memory_space<vmem>>, %arg11: memref<16x1024xf32, #tpu.memory_space<vmem>>, %arg12: memref<!tpu.dma_semaphore, #tpu.memory_space<semaphore_mem>>, %arg13: memref<!tpu.dma_semaphore, #tpu.memory_space<semaphore_mem>>, %arg14: memref<!tpu.dma_semaphore, #tpu.memory_space<semaphore_mem>>, %arg15: memref<!tpu.dma_semaphore, #tpu.memory_space<semaphore_mem>>, %arg16: memref<!tpu.dma_semaphore, #tpu.memory_space<semaphore_mem>>, %arg17: memref<!tpu.dma_semaphore, #tpu.memory_space<semaphore_mem>>, %arg18: memref<!tpu.dma_semaphore, #tpu.memory_space<semaphore_mem>>, %arg19: memref<!tpu.dma_semaphore, #tpu.memory_space<semaphore_mem>>, %arg20: memref<!tpu.dma_semaphore, #tpu.memory_space<semaphore_mem>>, %arg21: memref<!tpu.dma_semaphore, #tpu.memory_space<semaphore_mem>>, %arg22: memref<!tpu.dma_semaphore, #tpu.memory_space<semaphore_mem>>, %arg23: memref<!tpu.dma_semaphore, #tpu.memory_space<semaphore_mem>>) attributes {dimension_semantics = [#tpu.dimension_semantics<core_parallel>, #tpu.dimension_semantics<subcore_parallel>], iteration_bounds = array<i64: 2, 16>, scalar_prefetch = 0 : i64, scratch_operands = 19 : i64, tpu.core_type = #tpu.core_type<sc_vector_subcore>, window_params = [{transform_indices = #map}, {transform_indices = #map}, {transform_indices = #map1}]} {
    %mul3A = arith.constant 2 : i32
    %mul3A_0 = arith.muli %arg1, %mul3A : i32
    %add3A = arith.addi %mul3A_0, %arg0 : i32
    %mul3A_1 = arith.constant 256 : i32
    %mul3A_2 = arith.muli %add3A, %mul3A_1 : i32
    %jit3A = arith.constant 2048 : i32
    %div3A = arith.divsi %mul3A_2, %jit3A : i32
    %sign3A = arith.constant 0 : i32
    %sign3A_3 = arith.cmpi sgt, %mul3A_2, %sign3A : i32
    %sign3A_4 = arith.extui %sign3A_3 : i1 to i32
    %sign3A_5 = arith.constant 0 : i32
    %sign3A_6 = arith.cmpi slt, %mul3A_2, %sign3A_5 : i32
    %sign3A_7 = arith.extui %sign3A_6 : i1 to i32
    %sign3A_8 = arith.subi %sign3A_4, %sign3A_7 : i32
    %sign3A_9 = arith.constant 0 : i32
    %sign3A_10 = arith.cmpi sgt, %jit3A, %sign3A_9 : i32
    %sign3A_11 = arith.extui %sign3A_10 : i1 to i32
    %sign3A_12 = arith.constant 0 : i32
    %sign3A_13 = arith.cmpi slt, %jit3A, %sign3A_12 : i32
    %sign3A_14 = arith.extui %sign3A_13 : i1 to i32
    %sign3A_15 = arith.subi %sign3A_11, %sign3A_14 : i32
    %ne3A = arith.cmpi ne, %sign3A_8, %sign3A_15 : i32
    %rem3A = arith.remsi %mul3A_2, %jit3A : i32
    %ne3A_16 = arith.constant 0 : i32
    %ne3A_17 = arith.cmpi ne, %rem3A, %ne3A_16 : i32
    %and3A = arith.andi %ne3A, %ne3A_17 : i1
    %sub3A = arith.constant 1 : i32
    %sub3A_18 = arith.subi %div3A, %sub3A : i32
    %select_n3A = arith.select %and3A, %sub3A_18, %div3A : i32
    %jit3A_19 = arith.constant 2048 : i32
    %eq3A = arith.constant 0 : i32
    %eq3A_20 = arith.cmpi eq, %jit3A_19, %eq3A : i32
    %jit3A_21 = arith.constant 1 : i32
    %select_n3A_22 = arith.select %eq3A_20, %jit3A_21, %jit3A_19 : i32
    %rem3A_23 = arith.remsi %mul3A_2, %select_n3A_22 : i32
    %ne3A_24 = arith.constant 0 : i32
    %ne3A_25 = arith.cmpi ne, %rem3A_23, %ne3A_24 : i32
    %lt3A = arith.constant 0 : i32
    %lt3A_26 = arith.cmpi slt, %rem3A_23, %lt3A : i32
    %lt3A_27 = arith.constant 0 : i32
    %lt3A_28 = arith.cmpi slt, %select_n3A_22, %lt3A_27 : i32
    %ne3A_29 = arith.xori %lt3A_26, %lt3A_28 : i1
    %and3A_30 = arith.andi %ne3A_29, %ne3A_25 : i1
    %add3A_31 = arith.addi %rem3A_23, %select_n3A_22 : i32
    %select_n3A_32 = arith.select %and3A_30, %add3A_31, %rem3A_23 : i32
    "tpu.region"() ({
      %run_scoped3A = tpu.sem_alloc : memref<!tpu.dma_semaphore, #tpu.memory_space<semaphore_mem>>
      %dma_start3A_415 = tpu.memref_slice %arg3[%select_n3A, %select_n3A_32] : memref<4x2048xi32, #tpu.memory_space<hbm>> -> memref<1x256xi32, #tpu.memory_space<hbm>>
      %dma_start3A_416 = tpu.memref_squeeze %dma_start3A_415 : memref<1x256xi32, #tpu.memory_space<hbm>> -> memref<256xi32, #tpu.memory_space<hbm>>
      %dma_start3A_417 = tpu.memref_slice %arg3[%select_n3A, %select_n3A_32] : memref<4x2048xi32, #tpu.memory_space<hbm>> -> memref<1x256xi32, #tpu.memory_space<hbm>>
      %dma_start3A_418 = tpu.memref_squeeze %dma_start3A_417 : memref<1x256xi32, #tpu.memory_space<hbm>> -> memref<256xi32, #tpu.memory_space<hbm>>
      tpu.enqueue_dma source(%dma_start3A_418 : memref<256xi32, #tpu.memory_space<hbm>>) target(%arg5 : memref<256xi32, #tpu.memory_space<vmem>>) target_semaphore(%run_scoped3A : memref<!tpu.dma_semaphore, #tpu.memory_space<semaphore_mem>>)
      %dma_wait3A_419 = tpu.memref_slice %arg3[%select_n3A, %select_n3A_32] : memref<4x2048xi32, #tpu.memory_space<hbm>> -> memref<1x256xi32, #tpu.memory_space<hbm>>
      %dma_wait3A_420 = tpu.memref_squeeze %dma_wait3A_419 : memref<1x256xi32, #tpu.memory_space<hbm>> -> memref<256xi32, #tpu.memory_space<hbm>>
      %dma_wait3A_421 = tpu.memref_slice %arg3[%select_n3A, %select_n3A_32] : memref<4x2048xi32, #tpu.memory_space<hbm>> -> memref<1x256xi32, #tpu.memory_space<hbm>>
      %dma_wait3A_422 = tpu.memref_squeeze %dma_wait3A_421 : memref<1x256xi32, #tpu.memory_space<hbm>> -> memref<256xi32, #tpu.memory_space<hbm>>
      tpu.wait_dma2 semaphore(%run_scoped3A : memref<!tpu.dma_semaphore, #tpu.memory_space<semaphore_mem>>) src(%dma_wait3A_422 : memref<256xi32, #tpu.memory_space<hbm>>) dst(%arg5 : memref<256xi32, #tpu.memory_space<vmem>>)
      tpu.yield
    }) : () -> ()
    %dma_start3A = arith.constant 0 : i32
    %dma_start3A_33 = tpu.memref_slice %arg5[%dma_start3A] : memref<256xi32, #tpu.memory_space<vmem>> -> memref<16xi32, #tpu.memory_space<vmem>>
    %dma_start3A_34 = arith.constant 0 : i32
    %dma_start3A_35 = arith.constant 0 : i32
    %dma_start3A_36 = tpu.memref_slice %arg2[%dma_start3A_34, %dma_start3A_35] : memref<4096x1024xf32, #tpu.memory_space<hbm>> -> memref<4096x1024xf32, #tpu.memory_space<hbm>>
    tpu.enqueue_indirect_dma source(%dma_start3A_36 : memref<4096x1024xf32, #tpu.memory_space<hbm>>) target(%arg6 : memref<16x1024xf32, #tpu.memory_space<vmem>>) offsets(%dma_start3A_33 : memref<16xi32, #tpu.memory_space<vmem>>) semaphore(%arg12 : memref<!tpu.dma_semaphore, #tpu.memory_space<semaphore_mem>>)
    %dma_start3A_37 = arith.constant 16 : i32
    %dma_start3A_38 = tpu.memref_slice %arg5[%dma_start3A_37] : memref<256xi32, #tpu.memory_space<vmem>> -> memref<16xi32, #tpu.memory_space<vmem>>
    %dma_start3A_39 = arith.constant 0 : i32
    %dma_start3A_40 = arith.constant 0 : i32
    %dma_start3A_41 = tpu.memref_slice %arg2[%dma_start3A_39, %dma_start3A_40] : memref<4096x1024xf32, #tpu.memory_space<hbm>> -> memref<4096x1024xf32, #tpu.memory_space<hbm>>
    tpu.enqueue_indirect_dma source(%dma_start3A_41 : memref<4096x1024xf32, #tpu.memory_space<hbm>>) target(%arg7 : memref<16x1024xf32, #tpu.memory_space<vmem>>) offsets(%dma_start3A_38 : memref<16xi32, #tpu.memory_space<vmem>>) semaphore(%arg13 : memref<!tpu.dma_semaphore, #tpu.memory_space<semaphore_mem>>)
    %dma_start3A_42 = arith.constant 32 : i32
    %dma_start3A_43 = tpu.memref_slice %arg5[%dma_start3A_42] : memref<256xi32, #tpu.memory_space<vmem>> -> memref<16xi32, #tpu.memory_space<vmem>>
    %dma_start3A_44 = arith.constant 0 : i32
    %dma_start3A_45 = arith.constant 0 : i32
    %dma_start3A_46 = tpu.memref_slice %arg2[%dma_start3A_44, %dma_start3A_45] : memref<4096x1024xf32, #tpu.memory_space<hbm>> -> memref<4096x1024xf32, #tpu.memory_space<hbm>>
    tpu.enqueue_indirect_dma source(%dma_start3A_46 : memref<4096x1024xf32, #tpu.memory_space<hbm>>) target(%arg8 : memref<16x1024xf32, #tpu.memory_space<vmem>>) offsets(%dma_start3A_43 : memref<16xi32, #tpu.memory_space<vmem>>) semaphore(%arg14 : memref<!tpu.dma_semaphore, #tpu.memory_space<semaphore_mem>>)
    %dma_wait3A = arith.constant 0 : i32
    %dma_wait3A_47 = tpu.memref_slice %arg5[%dma_wait3A] : memref<256xi32, #tpu.memory_space<vmem>> -> memref<16xi32, #tpu.memory_space<vmem>>
    %dma_wait3A_48 = arith.constant 0 : i32
    %dma_wait3A_49 = arith.constant 0 : i32
    %dma_wait3A_50 = tpu.memref_slice %arg2[%dma_wait3A_48, %dma_wait3A_49] : memref<4096x1024xf32, #tpu.memory_space<hbm>> -> memref<4096x1024xf32, #tpu.memory_space<hbm>>
    tpu.wait_indirect_dma semaphore(%arg12 : memref<!tpu.dma_semaphore, #tpu.memory_space<semaphore_mem>>) src(%dma_wait3A_50 : memref<4096x1024xf32, #tpu.memory_space<hbm>>) dst(%arg6 : memref<16x1024xf32, #tpu.memory_space<vmem>>)
    %add3A_51 = arith.constant 0 : i32
    %add3A_52 = arith.addi %select_n3A_32, %add3A_51 : i32
    %dma_start3A_53 = arith.constant 0 : i32
    %dma_start3A_54 = tpu.memref_slice %arg4[%select_n3A, %add3A_52, %dma_start3A_53] : memref<4x2048x1024xf32, #tpu.memory_space<hbm>> -> memref<1x16x1024xf32, #tpu.memory_space<hbm>>
    %dma_start3A_55 = tpu.memref_squeeze %dma_start3A_54 : memref<1x16x1024xf32, #tpu.memory_space<hbm>> -> memref<16x1024xf32, #tpu.memory_space<hbm>>
    %dma_start3A_56 = arith.constant 0 : i32
    %dma_start3A_57 = tpu.memref_slice %arg4[%select_n3A, %add3A_52, %dma_start3A_56] : memref<4x2048x1024xf32, #tpu.memory_space<hbm>> -> memref<1x16x1024xf32, #tpu.memory_space<hbm>>
    %dma_start3A_58 = tpu.memref_squeeze %dma_start3A_57 : memref<1x16x1024xf32, #tpu.memory_space<hbm>> -> memref<16x1024xf32, #tpu.memory_space<hbm>>
    tpu.enqueue_dma source(%arg6 : memref<16x1024xf32, #tpu.memory_space<vmem>>) target(%dma_start3A_58 : memref<16x1024xf32, #tpu.memory_space<hbm>>) target_semaphore(%arg18 : memref<!tpu.dma_semaphore, #tpu.memory_space<semaphore_mem>>)
    %dma_start3A_59 = arith.constant 48 : i32
    %dma_start3A_60 = tpu.memref_slice %arg5[%dma_start3A_59] : memref<256xi32, #tpu.memory_space<vmem>> -> memref<16xi32, #tpu.memory_space<vmem>>
    %dma_start3A_61 = arith.constant 0 : i32
    %dma_start3A_62 = arith.constant 0 : i32
    %dma_start3A_63 = tpu.memref_slice %arg2[%dma_start3A_61, %dma_start3A_62] : memref<4096x1024xf32, #tpu.memory_space<hbm>> -> memref<4096x1024xf32, #tpu.memory_space<hbm>>
    tpu.enqueue_indirect_dma source(%dma_start3A_63 : memref<4096x1024xf32, #tpu.memory_space<hbm>>) target(%arg9 : memref<16x1024xf32, #tpu.memory_space<vmem>>) offsets(%dma_start3A_60 : memref<16xi32, #tpu.memory_space<vmem>>) semaphore(%arg15 : memref<!tpu.dma_semaphore, #tpu.memory_space<semaphore_mem>>)
    %dma_wait3A_64 = arith.constant 16 : i32
    %dma_wait3A_65 = tpu.memref_slice %arg5[%dma_wait3A_64] : memref<256xi32, #tpu.memory_space<vmem>> -> memref<16xi32, #tpu.memory_space<vmem>>
    %dma_wait3A_66 = arith.constant 0 : i32
    %dma_wait3A_67 = arith.constant 0 : i32
    %dma_wait3A_68 = tpu.memref_slice %arg2[%dma_wait3A_66, %dma_wait3A_67] : memref<4096x1024xf32, #tpu.memory_space<hbm>> -> memref<4096x1024xf32, #tpu.memory_space<hbm>>
    tpu.wait_indirect_dma semaphore(%arg13 : memref<!tpu.dma_semaphore, #tpu.memory_space<semaphore_mem>>) src(%dma_wait3A_68 : memref<4096x1024xf32, #tpu.memory_space<hbm>>) dst(%arg7 : memref<16x1024xf32, #tpu.memory_space<vmem>>)
    %add3A_69 = arith.constant 16 : i32
    %add3A_70 = arith.addi %select_n3A_32, %add3A_69 : i32
    %dma_start3A_71 = arith.constant 0 : i32
    %dma_start3A_72 = tpu.memref_slice %arg4[%select_n3A, %add3A_70, %dma_start3A_71] : memref<4x2048x1024xf32, #tpu.memory_space<hbm>> -> memref<1x16x1024xf32, #tpu.memory_space<hbm>>
    %dma_start3A_73 = tpu.memref_squeeze %dma_start3A_72 : memref<1x16x1024xf32, #tpu.memory_space<hbm>> -> memref<16x1024xf32, #tpu.memory_space<hbm>>
    %dma_start3A_74 = arith.constant 0 : i32
    %dma_start3A_75 = tpu.memref_slice %arg4[%select_n3A, %add3A_70, %dma_start3A_74] : memref<4x2048x1024xf32, #tpu.memory_space<hbm>> -> memref<1x16x1024xf32, #tpu.memory_space<hbm>>
    %dma_start3A_76 = tpu.memref_squeeze %dma_start3A_75 : memref<1x16x1024xf32, #tpu.memory_space<hbm>> -> memref<16x1024xf32, #tpu.memory_space<hbm>>
    tpu.enqueue_dma source(%arg7 : memref<16x1024xf32, #tpu.memory_space<vmem>>) target(%dma_start3A_76 : memref<16x1024xf32, #tpu.memory_space<hbm>>) target_semaphore(%arg19 : memref<!tpu.dma_semaphore, #tpu.memory_space<semaphore_mem>>)
    %dma_start3A_77 = arith.constant 64 : i32
    %dma_start3A_78 = tpu.memref_slice %arg5[%dma_start3A_77] : memref<256xi32, #tpu.memory_space<vmem>> -> memref<16xi32, #tpu.memory_space<vmem>>
    %dma_start3A_79 = arith.constant 0 : i32
    %dma_start3A_80 = arith.constant 0 : i32
    %dma_start3A_81 = tpu.memref_slice %arg2[%dma_start3A_79, %dma_start3A_80] : memref<4096x1024xf32, #tpu.memory_space<hbm>> -> memref<4096x1024xf32, #tpu.memory_space<hbm>>
    tpu.enqueue_indirect_dma source(%dma_start3A_81 : memref<4096x1024xf32, #tpu.memory_space<hbm>>) target(%arg10 : memref<16x1024xf32, #tpu.memory_space<vmem>>) offsets(%dma_start3A_78 : memref<16xi32, #tpu.memory_space<vmem>>) semaphore(%arg16 : memref<!tpu.dma_semaphore, #tpu.memory_space<semaphore_mem>>)
    %dma_wait3A_82 = arith.constant 32 : i32
    %dma_wait3A_83 = tpu.memref_slice %arg5[%dma_wait3A_82] : memref<256xi32, #tpu.memory_space<vmem>> -> memref<16xi32, #tpu.memory_space<vmem>>
    %dma_wait3A_84 = arith.constant 0 : i32
    %dma_wait3A_85 = arith.constant 0 : i32
    %dma_wait3A_86 = tpu.memref_slice %arg2[%dma_wait3A_84, %dma_wait3A_85] : memref<4096x1024xf32, #tpu.memory_space<hbm>> -> memref<4096x1024xf32, #tpu.memory_space<hbm>>
    tpu.wait_indirect_dma semaphore(%arg14 : memref<!tpu.dma_semaphore, #tpu.memory_space<semaphore_mem>>) src(%dma_wait3A_86 : memref<4096x1024xf32, #tpu.memory_space<hbm>>) dst(%arg8 : memref<16x1024xf32, #tpu.memory_space<vmem>>)
    %add3A_87 = arith.constant 32 : i32
    %add3A_88 = arith.addi %select_n3A_32, %add3A_87 : i32
    %dma_start3A_89 = arith.constant 0 : i32
    %dma_start3A_90 = tpu.memref_slice %arg4[%select_n3A, %add3A_88, %dma_start3A_89] : memref<4x2048x1024xf32, #tpu.memory_space<hbm>> -> memref<1x16x1024xf32, #tpu.memory_space<hbm>>
    %dma_start3A_91 = tpu.memref_squeeze %dma_start3A_90 : memref<1x16x1024xf32, #tpu.memory_space<hbm>> -> memref<16x1024xf32, #tpu.memory_space<hbm>>
    %dma_start3A_92 = arith.constant 0 : i32
    %dma_start3A_93 = tpu.memref_slice %arg4[%select_n3A, %add3A_88, %dma_start3A_92] : memref<4x2048x1024xf32, #tpu.memory_space<hbm>> -> memref<1x16x1024xf32, #tpu.memory_space<hbm>>
    %dma_start3A_94 = tpu.memref_squeeze %dma_start3A_93 : memref<1x16x1024xf32, #tpu.memory_space<hbm>> -> memref<16x1024xf32, #tpu.memory_space<hbm>>
    tpu.enqueue_dma source(%arg8 : memref<16x1024xf32, #tpu.memory_space<vmem>>) target(%dma_start3A_94 : memref<16x1024xf32, #tpu.memory_space<hbm>>) target_semaphore(%arg20 : memref<!tpu.dma_semaphore, #tpu.memory_space<semaphore_mem>>)
    %dma_start3A_95 = arith.constant 80 : i32
    %dma_start3A_96 = tpu.memref_slice %arg5[%dma_start3A_95] : memref<256xi32, #tpu.memory_space<vmem>> -> memref<16xi32, #tpu.memory_space<vmem>>
    %dma_start3A_97 = arith.constant 0 : i32
    %dma_start3A_98 = arith.constant 0 : i32
    %dma_start3A_99 = tpu.memref_slice %arg2[%dma_start3A_97, %dma_start3A_98] : memref<4096x1024xf32, #tpu.memory_space<hbm>> -> memref<4096x1024xf32, #tpu.memory_space<hbm>>
    tpu.enqueue_indirect_dma source(%dma_start3A_99 : memref<4096x1024xf32, #tpu.memory_space<hbm>>) target(%arg11 : memref<16x1024xf32, #tpu.memory_space<vmem>>) offsets(%dma_start3A_96 : memref<16xi32, #tpu.memory_space<vmem>>) semaphore(%arg17 : memref<!tpu.dma_semaphore, #tpu.memory_space<semaphore_mem>>)
    %dma_wait3A_100 = arith.constant 48 : i32
    %dma_wait3A_101 = tpu.memref_slice %arg5[%dma_wait3A_100] : memref<256xi32, #tpu.memory_space<vmem>> -> memref<16xi32, #tpu.memory_space<vmem>>
    %dma_wait3A_102 = arith.constant 0 : i32
    %dma_wait3A_103 = arith.constant 0 : i32
    %dma_wait3A_104 = tpu.memref_slice %arg2[%dma_wait3A_102, %dma_wait3A_103] : memref<4096x1024xf32, #tpu.memory_space<hbm>> -> memref<4096x1024xf32, #tpu.memory_space<hbm>>
    tpu.wait_indirect_dma semaphore(%arg15 : memref<!tpu.dma_semaphore, #tpu.memory_space<semaphore_mem>>) src(%dma_wait3A_104 : memref<4096x1024xf32, #tpu.memory_space<hbm>>) dst(%arg9 : memref<16x1024xf32, #tpu.memory_space<vmem>>)
    %add3A_105 = arith.constant 48 : i32
    %add3A_106 = arith.addi %select_n3A_32, %add3A_105 : i32
    %dma_start3A_107 = arith.constant 0 : i32
    %dma_start3A_108 = tpu.memref_slice %arg4[%select_n3A, %add3A_106, %dma_start3A_107] : memref<4x2048x1024xf32, #tpu.memory_space<hbm>> -> memref<1x16x1024xf32, #tpu.memory_space<hbm>>
    %dma_start3A_109 = tpu.memref_squeeze %dma_start3A_108 : memref<1x16x1024xf32, #tpu.memory_space<hbm>> -> memref<16x1024xf32, #tpu.memory_space<hbm>>
    %dma_start3A_110 = arith.constant 0 : i32
    %dma_start3A_111 = tpu.memref_slice %arg4[%select_n3A, %add3A_106, %dma_start3A_110] : memref<4x2048x1024xf32, #tpu.memory_space<hbm>> -> memref<1x16x1024xf32, #tpu.memory_space<hbm>>
    %dma_start3A_112 = tpu.memref_squeeze %dma_start3A_111 : memref<1x16x1024xf32, #tpu.memory_space<hbm>> -> memref<16x1024xf32, #tpu.memory_space<hbm>>
    tpu.enqueue_dma source(%arg9 : memref<16x1024xf32, #tpu.memory_space<vmem>>) target(%dma_start3A_112 : memref<16x1024xf32, #tpu.memory_space<hbm>>) target_semaphore(%arg21 : memref<!tpu.dma_semaphore, #tpu.memory_space<semaphore_mem>>)
    %dma_wait3A_113 = arith.constant 0 : i32
    %dma_wait3A_114 = tpu.memref_slice %arg4[%select_n3A, %add3A_52, %dma_wait3A_113] : memref<4x2048x1024xf32, #tpu.memory_space<hbm>> -> memref<1x16x1024xf32, #tpu.memory_space<hbm>>
    %dma_wait3A_115 = tpu.memref_squeeze %dma_wait3A_114 : memref<1x16x1024xf32, #tpu.memory_space<hbm>> -> memref<16x1024xf32, #tpu.memory_space<hbm>>
    %dma_wait3A_116 = arith.constant 0 : i32
    %dma_wait3A_117 = tpu.memref_slice %arg4[%select_n3A, %add3A_52, %dma_wait3A_116] : memref<4x2048x1024xf32, #tpu.memory_space<hbm>> -> memref<1x16x1024xf32, #tpu.memory_space<hbm>>
    %dma_wait3A_118 = tpu.memref_squeeze %dma_wait3A_117 : memref<1x16x1024xf32, #tpu.memory_space<hbm>> -> memref<16x1024xf32, #tpu.memory_space<hbm>>
    tpu.wait_dma2 semaphore(%arg18 : memref<!tpu.dma_semaphore, #tpu.memory_space<semaphore_mem>>) src(%arg6 : memref<16x1024xf32, #tpu.memory_space<vmem>>) dst(%dma_wait3A_118 : memref<16x1024xf32, #tpu.memory_space<hbm>>)
    %dma_start3A_119 = arith.constant 96 : i32
    %dma_start3A_120 = tpu.memref_slice %arg5[%dma_start3A_119] : memref<256xi32, #tpu.memory_space<vmem>> -> memref<16xi32, #tpu.memory_space<vmem>>
    %dma_start3A_121 = arith.constant 0 : i32
    %dma_start3A_122 = arith.constant 0 : i32
    %dma_start3A_123 = tpu.memref_slice %arg2[%dma_start3A_121, %dma_start3A_122] : memref<4096x1024xf32, #tpu.memory_space<hbm>> -> memref<4096x1024xf32, #tpu.memory_space<hbm>>
    tpu.enqueue_indirect_dma source(%dma_start3A_123 : memref<4096x1024xf32, #tpu.memory_space<hbm>>) target(%arg6 : memref<16x1024xf32, #tpu.memory_space<vmem>>) offsets(%dma_start3A_120 : memref<16xi32, #tpu.memory_space<vmem>>) semaphore(%arg12 : memref<!tpu.dma_semaphore, #tpu.memory_space<semaphore_mem>>)
    %dma_wait3A_124 = arith.constant 64 : i32
    %dma_wait3A_125 = tpu.memref_slice %arg5[%dma_wait3A_124] : memref<256xi32, #tpu.memory_space<vmem>> -> memref<16xi32, #tpu.memory_space<vmem>>
    %dma_wait3A_126 = arith.constant 0 : i32
    %dma_wait3A_127 = arith.constant 0 : i32
    %dma_wait3A_128 = tpu.memref_slice %arg2[%dma_wait3A_126, %dma_wait3A_127] : memref<4096x1024xf32, #tpu.memory_space<hbm>> -> memref<4096x1024xf32, #tpu.memory_space<hbm>>
    tpu.wait_indirect_dma semaphore(%arg16 : memref<!tpu.dma_semaphore, #tpu.memory_space<semaphore_mem>>) src(%dma_wait3A_128 : memref<4096x1024xf32, #tpu.memory_space<hbm>>) dst(%arg10 : memref<16x1024xf32, #tpu.memory_space<vmem>>)
    %add3A_129 = arith.constant 64 : i32
    %add3A_130 = arith.addi %select_n3A_32, %add3A_129 : i32
    %dma_start3A_131 = arith.constant 0 : i32
    %dma_start3A_132 = tpu.memref_slice %arg4[%select_n3A, %add3A_130, %dma_start3A_131] : memref<4x2048x1024xf32, #tpu.memory_space<hbm>> -> memref<1x16x1024xf32, #tpu.memory_space<hbm>>
    %dma_start3A_133 = tpu.memref_squeeze %dma_start3A_132 : memref<1x16x1024xf32, #tpu.memory_space<hbm>> -> memref<16x1024xf32, #tpu.memory_space<hbm>>
    %dma_start3A_134 = arith.constant 0 : i32
    %dma_start3A_135 = tpu.memref_slice %arg4[%select_n3A, %add3A_130, %dma_start3A_134] : memref<4x2048x1024xf32, #tpu.memory_space<hbm>> -> memref<1x16x1024xf32, #tpu.memory_space<hbm>>
    %dma_start3A_136 = tpu.memref_squeeze %dma_start3A_135 : memref<1x16x1024xf32, #tpu.memory_space<hbm>> -> memref<16x1024xf32, #tpu.memory_space<hbm>>
    tpu.enqueue_dma source(%arg10 : memref<16x1024xf32, #tpu.memory_space<vmem>>) target(%dma_start3A_136 : memref<16x1024xf32, #tpu.memory_space<hbm>>) target_semaphore(%arg22 : memref<!tpu.dma_semaphore, #tpu.memory_space<semaphore_mem>>)
    %dma_wait3A_137 = arith.constant 0 : i32
    %dma_wait3A_138 = tpu.memref_slice %arg4[%select_n3A, %add3A_70, %dma_wait3A_137] : memref<4x2048x1024xf32, #tpu.memory_space<hbm>> -> memref<1x16x1024xf32, #tpu.memory_space<hbm>>
    %dma_wait3A_139 = tpu.memref_squeeze %dma_wait3A_138 : memref<1x16x1024xf32, #tpu.memory_space<hbm>> -> memref<16x1024xf32, #tpu.memory_space<hbm>>
    %dma_wait3A_140 = arith.constant 0 : i32
    %dma_wait3A_141 = tpu.memref_slice %arg4[%select_n3A, %add3A_70, %dma_wait3A_140] : memref<4x2048x1024xf32, #tpu.memory_space<hbm>> -> memref<1x16x1024xf32, #tpu.memory_space<hbm>>
    %dma_wait3A_142 = tpu.memref_squeeze %dma_wait3A_141 : memref<1x16x1024xf32, #tpu.memory_space<hbm>> -> memref<16x1024xf32, #tpu.memory_space<hbm>>
    tpu.wait_dma2 semaphore(%arg19 : memref<!tpu.dma_semaphore, #tpu.memory_space<semaphore_mem>>) src(%arg7 : memref<16x1024xf32, #tpu.memory_space<vmem>>) dst(%dma_wait3A_142 : memref<16x1024xf32, #tpu.memory_space<hbm>>)
    %dma_start3A_143 = arith.constant 112 : i32
    %dma_start3A_144 = tpu.memref_slice %arg5[%dma_start3A_143] : memref<256xi32, #tpu.memory_space<vmem>> -> memref<16xi32, #tpu.memory_space<vmem>>
    %dma_start3A_145 = arith.constant 0 : i32
    %dma_start3A_146 = arith.constant 0 : i32
    %dma_start3A_147 = tpu.memref_slice %arg2[%dma_start3A_145, %dma_start3A_146] : memref<4096x1024xf32, #tpu.memory_space<hbm>> -> memref<4096x1024xf32, #tpu.memory_space<hbm>>
    tpu.enqueue_indirect_dma source(%dma_start3A_147 : memref<4096x1024xf32, #tpu.memory_space<hbm>>) target(%arg7 : memref<16x1024xf32, #tpu.memory_space<vmem>>) offsets(%dma_start3A_144 : memref<16xi32, #tpu.memory_space<vmem>>) semaphore(%arg13 : memref<!tpu.dma_semaphore, #tpu.memory_space<semaphore_mem>>)
    %dma_wait3A_148 = arith.constant 80 : i32
    %dma_wait3A_149 = tpu.memref_slice %arg5[%dma_wait3A_148] : memref<256xi32, #tpu.memory_space<vmem>> -> memref<16xi32, #tpu.memory_space<vmem>>
    %dma_wait3A_150 = arith.constant 0 : i32
    %dma_wait3A_151 = arith.constant 0 : i32
    %dma_wait3A_152 = tpu.memref_slice %arg2[%dma_wait3A_150, %dma_wait3A_151] : memref<4096x1024xf32, #tpu.memory_space<hbm>> -> memref<4096x1024xf32, #tpu.memory_space<hbm>>
    tpu.wait_indirect_dma semaphore(%arg17 : memref<!tpu.dma_semaphore, #tpu.memory_space<semaphore_mem>>) src(%dma_wait3A_152 : memref<4096x1024xf32, #tpu.memory_space<hbm>>) dst(%arg11 : memref<16x1024xf32, #tpu.memory_space<vmem>>)
    %add3A_153 = arith.constant 80 : i32
    %add3A_154 = arith.addi %select_n3A_32, %add3A_153 : i32
    %dma_start3A_155 = arith.constant 0 : i32
    %dma_start3A_156 = tpu.memref_slice %arg4[%select_n3A, %add3A_154, %dma_start3A_155] : memref<4x2048x1024xf32, #tpu.memory_space<hbm>> -> memref<1x16x1024xf32, #tpu.memory_space<hbm>>
    %dma_start3A_157 = tpu.memref_squeeze %dma_start3A_156 : memref<1x16x1024xf32, #tpu.memory_space<hbm>> -> memref<16x1024xf32, #tpu.memory_space<hbm>>
    %dma_start3A_158 = arith.constant 0 : i32
    %dma_start3A_159 = tpu.memref_slice %arg4[%select_n3A, %add3A_154, %dma_start3A_158] : memref<4x2048x1024xf32, #tpu.memory_space<hbm>> -> memref<1x16x1024xf32, #tpu.memory_space<hbm>>
    %dma_start3A_160 = tpu.memref_squeeze %dma_start3A_159 : memref<1x16x1024xf32, #tpu.memory_space<hbm>> -> memref<16x1024xf32, #tpu.memory_space<hbm>>
    tpu.enqueue_dma source(%arg11 : memref<16x1024xf32, #tpu.memory_space<vmem>>) target(%dma_start3A_160 : memref<16x1024xf32, #tpu.memory_space<hbm>>) target_semaphore(%arg23 : memref<!tpu.dma_semaphore, #tpu.memory_space<semaphore_mem>>)
    %dma_wait3A_161 = arith.constant 0 : i32
    %dma_wait3A_162 = tpu.memref_slice %arg4[%select_n3A, %add3A_88, %dma_wait3A_161] : memref<4x2048x1024xf32, #tpu.memory_space<hbm>> -> memref<1x16x1024xf32, #tpu.memory_space<hbm>>
    %dma_wait3A_163 = tpu.memref_squeeze %dma_wait3A_162 : memref<1x16x1024xf32, #tpu.memory_space<hbm>> -> memref<16x1024xf32, #tpu.memory_space<hbm>>
    %dma_wait3A_164 = arith.constant 0 : i32
    %dma_wait3A_165 = tpu.memref_slice %arg4[%select_n3A, %add3A_88, %dma_wait3A_164] : memref<4x2048x1024xf32, #tpu.memory_space<hbm>> -> memref<1x16x1024xf32, #tpu.memory_space<hbm>>
    %dma_wait3A_166 = tpu.memref_squeeze %dma_wait3A_165 : memref<1x16x1024xf32, #tpu.memory_space<hbm>> -> memref<16x1024xf32, #tpu.memory_space<hbm>>
    tpu.wait_dma2 semaphore(%arg20 : memref<!tpu.dma_semaphore, #tpu.memory_space<semaphore_mem>>) src(%arg8 : memref<16x1024xf32, #tpu.memory_space<vmem>>) dst(%dma_wait3A_166 : memref<16x1024xf32, #tpu.memory_space<hbm>>)
    %dma_start3A_167 = arith.constant 128 : i32
    %dma_start3A_168 = tpu.memref_slice %arg5[%dma_start3A_167] : memref<256xi32, #tpu.memory_space<vmem>> -> memref<16xi32, #tpu.memory_space<vmem>>
    %dma_start3A_169 = arith.constant 0 : i32
    %dma_start3A_170 = arith.constant 0 : i32
    %dma_start3A_171 = tpu.memref_slice %arg2[%dma_start3A_169, %dma_start3A_170] : memref<4096x1024xf32, #tpu.memory_space<hbm>> -> memref<4096x1024xf32, #tpu.memory_space<hbm>>
    tpu.enqueue_indirect_dma source(%dma_start3A_171 : memref<4096x1024xf32, #tpu.memory_space<hbm>>) target(%arg8 : memref<16x1024xf32, #tpu.memory_space<vmem>>) offsets(%dma_start3A_168 : memref<16xi32, #tpu.memory_space<vmem>>) semaphore(%arg14 : memref<!tpu.dma_semaphore, #tpu.memory_space<semaphore_mem>>)
    %dma_wait3A_172 = arith.constant 96 : i32
    %dma_wait3A_173 = tpu.memref_slice %arg5[%dma_wait3A_172] : memref<256xi32, #tpu.memory_space<vmem>> -> memref<16xi32, #tpu.memory_space<vmem>>
    %dma_wait3A_174 = arith.constant 0 : i32
    %dma_wait3A_175 = arith.constant 0 : i32
    %dma_wait3A_176 = tpu.memref_slice %arg2[%dma_wait3A_174, %dma_wait3A_175] : memref<4096x1024xf32, #tpu.memory_space<hbm>> -> memref<4096x1024xf32, #tpu.memory_space<hbm>>
    tpu.wait_indirect_dma semaphore(%arg12 : memref<!tpu.dma_semaphore, #tpu.memory_space<semaphore_mem>>) src(%dma_wait3A_176 : memref<4096x1024xf32, #tpu.memory_space<hbm>>) dst(%arg6 : memref<16x1024xf32, #tpu.memory_space<vmem>>)
    %add3A_177 = arith.constant 96 : i32
    %add3A_178 = arith.addi %select_n3A_32, %add3A_177 : i32
    %dma_start3A_179 = arith.constant 0 : i32
    %dma_start3A_180 = tpu.memref_slice %arg4[%select_n3A, %add3A_178, %dma_start3A_179] : memref<4x2048x1024xf32, #tpu.memory_space<hbm>> -> memref<1x16x1024xf32, #tpu.memory_space<hbm>>
    %dma_start3A_181 = tpu.memref_squeeze %dma_start3A_180 : memref<1x16x1024xf32, #tpu.memory_space<hbm>> -> memref<16x1024xf32, #tpu.memory_space<hbm>>
    %dma_start3A_182 = arith.constant 0 : i32
    %dma_start3A_183 = tpu.memref_slice %arg4[%select_n3A, %add3A_178, %dma_start3A_182] : memref<4x2048x1024xf32, #tpu.memory_space<hbm>> -> memref<1x16x1024xf32, #tpu.memory_space<hbm>>
    %dma_start3A_184 = tpu.memref_squeeze %dma_start3A_183 : memref<1x16x1024xf32, #tpu.memory_space<hbm>> -> memref<16x1024xf32, #tpu.memory_space<hbm>>
    tpu.enqueue_dma source(%arg6 : memref<16x1024xf32, #tpu.memory_space<vmem>>) target(%dma_start3A_184 : memref<16x1024xf32, #tpu.memory_space<hbm>>) target_semaphore(%arg18 : memref<!tpu.dma_semaphore, #tpu.memory_space<semaphore_mem>>)
    %dma_wait3A_185 = arith.constant 0 : i32
    %dma_wait3A_186 = tpu.memref_slice %arg4[%select_n3A, %add3A_106, %dma_wait3A_185] : memref<4x2048x1024xf32, #tpu.memory_space<hbm>> -> memref<1x16x1024xf32, #tpu.memory_space<hbm>>
    %dma_wait3A_187 = tpu.memref_squeeze %dma_wait3A_186 : memref<1x16x1024xf32, #tpu.memory_space<hbm>> -> memref<16x1024xf32, #tpu.memory_space<hbm>>
    %dma_wait3A_188 = arith.constant 0 : i32
    %dma_wait3A_189 = tpu.memref_slice %arg4[%select_n3A, %add3A_106, %dma_wait3A_188] : memref<4x2048x1024xf32, #tpu.memory_space<hbm>> -> memref<1x16x1024xf32, #tpu.memory_space<hbm>>
    %dma_wait3A_190 = tpu.memref_squeeze %dma_wait3A_189 : memref<1x16x1024xf32, #tpu.memory_space<hbm>> -> memref<16x1024xf32, #tpu.memory_space<hbm>>
    tpu.wait_dma2 semaphore(%arg21 : memref<!tpu.dma_semaphore, #tpu.memory_space<semaphore_mem>>) src(%arg9 : memref<16x1024xf32, #tpu.memory_space<vmem>>) dst(%dma_wait3A_190 : memref<16x1024xf32, #tpu.memory_space<hbm>>)
    %dma_start3A_191 = arith.constant 144 : i32
    %dma_start3A_192 = tpu.memref_slice %arg5[%dma_start3A_191] : memref<256xi32, #tpu.memory_space<vmem>> -> memref<16xi32, #tpu.memory_space<vmem>>
    %dma_start3A_193 = arith.constant 0 : i32
    %dma_start3A_194 = arith.constant 0 : i32
    %dma_start3A_195 = tpu.memref_slice %arg2[%dma_start3A_193, %dma_start3A_194] : memref<4096x1024xf32, #tpu.memory_space<hbm>> -> memref<4096x1024xf32, #tpu.memory_space<hbm>>
    tpu.enqueue_indirect_dma source(%dma_start3A_195 : memref<4096x1024xf32, #tpu.memory_space<hbm>>) target(%arg9 : memref<16x1024xf32, #tpu.memory_space<vmem>>) offsets(%dma_start3A_192 : memref<16xi32, #tpu.memory_space<vmem>>) semaphore(%arg15 : memref<!tpu.dma_semaphore, #tpu.memory_space<semaphore_mem>>)
    %dma_wait3A_196 = arith.constant 112 : i32
    %dma_wait3A_197 = tpu.memref_slice %arg5[%dma_wait3A_196] : memref<256xi32, #tpu.memory_space<vmem>> -> memref<16xi32, #tpu.memory_space<vmem>>
    %dma_wait3A_198 = arith.constant 0 : i32
    %dma_wait3A_199 = arith.constant 0 : i32
    %dma_wait3A_200 = tpu.memref_slice %arg2[%dma_wait3A_198, %dma_wait3A_199] : memref<4096x1024xf32, #tpu.memory_space<hbm>> -> memref<4096x1024xf32, #tpu.memory_space<hbm>>
    tpu.wait_indirect_dma semaphore(%arg13 : memref<!tpu.dma_semaphore, #tpu.memory_space<semaphore_mem>>) src(%dma_wait3A_200 : memref<4096x1024xf32, #tpu.memory_space<hbm>>) dst(%arg7 : memref<16x1024xf32, #tpu.memory_space<vmem>>)
    %add3A_201 = arith.constant 112 : i32
    %add3A_202 = arith.addi %select_n3A_32, %add3A_201 : i32
    %dma_start3A_203 = arith.constant 0 : i32
    %dma_start3A_204 = tpu.memref_slice %arg4[%select_n3A, %add3A_202, %dma_start3A_203] : memref<4x2048x1024xf32, #tpu.memory_space<hbm>> -> memref<1x16x1024xf32, #tpu.memory_space<hbm>>
    %dma_start3A_205 = tpu.memref_squeeze %dma_start3A_204 : memref<1x16x1024xf32, #tpu.memory_space<hbm>> -> memref<16x1024xf32, #tpu.memory_space<hbm>>
    %dma_start3A_206 = arith.constant 0 : i32
    %dma_start3A_207 = tpu.memref_slice %arg4[%select_n3A, %add3A_202, %dma_start3A_206] : memref<4x2048x1024xf32, #tpu.memory_space<hbm>> -> memref<1x16x1024xf32, #tpu.memory_space<hbm>>
    %dma_start3A_208 = tpu.memref_squeeze %dma_start3A_207 : memref<1x16x1024xf32, #tpu.memory_space<hbm>> -> memref<16x1024xf32, #tpu.memory_space<hbm>>
    tpu.enqueue_dma source(%arg7 : memref<16x1024xf32, #tpu.memory_space<vmem>>) target(%dma_start3A_208 : memref<16x1024xf32, #tpu.memory_space<hbm>>) target_semaphore(%arg19 : memref<!tpu.dma_semaphore, #tpu.memory_space<semaphore_mem>>)
    %dma_wait3A_209 = arith.constant 0 : i32
    %dma_wait3A_210 = tpu.memref_slice %arg4[%select_n3A, %add3A_130, %dma_wait3A_209] : memref<4x2048x1024xf32, #tpu.memory_space<hbm>> -> memref<1x16x1024xf32, #tpu.memory_space<hbm>>
    %dma_wait3A_211 = tpu.memref_squeeze %dma_wait3A_210 : memref<1x16x1024xf32, #tpu.memory_space<hbm>> -> memref<16x1024xf32, #tpu.memory_space<hbm>>
    %dma_wait3A_212 = arith.constant 0 : i32
    %dma_wait3A_213 = tpu.memref_slice %arg4[%select_n3A, %add3A_130, %dma_wait3A_212] : memref<4x2048x1024xf32, #tpu.memory_space<hbm>> -> memref<1x16x1024xf32, #tpu.memory_space<hbm>>
    %dma_wait3A_214 = tpu.memref_squeeze %dma_wait3A_213 : memref<1x16x1024xf32, #tpu.memory_space<hbm>> -> memref<16x1024xf32, #tpu.memory_space<hbm>>
    tpu.wait_dma2 semaphore(%arg22 : memref<!tpu.dma_semaphore, #tpu.memory_space<semaphore_mem>>) src(%arg10 : memref<16x1024xf32, #tpu.memory_space<vmem>>) dst(%dma_wait3A_214 : memref<16x1024xf32, #tpu.memory_space<hbm>>)
    %dma_start3A_215 = arith.constant 160 : i32
    %dma_start3A_216 = tpu.memref_slice %arg5[%dma_start3A_215] : memref<256xi32, #tpu.memory_space<vmem>> -> memref<16xi32, #tpu.memory_space<vmem>>
    %dma_start3A_217 = arith.constant 0 : i32
    %dma_start3A_218 = arith.constant 0 : i32
    %dma_start3A_219 = tpu.memref_slice %arg2[%dma_start3A_217, %dma_start3A_218] : memref<4096x1024xf32, #tpu.memory_space<hbm>> -> memref<4096x1024xf32, #tpu.memory_space<hbm>>
    tpu.enqueue_indirect_dma source(%dma_start3A_219 : memref<4096x1024xf32, #tpu.memory_space<hbm>>) target(%arg10 : memref<16x1024xf32, #tpu.memory_space<vmem>>) offsets(%dma_start3A_216 : memref<16xi32, #tpu.memory_space<vmem>>) semaphore(%arg16 : memref<!tpu.dma_semaphore, #tpu.memory_space<semaphore_mem>>)
    %dma_wait3A_220 = arith.constant 128 : i32
    %dma_wait3A_221 = tpu.memref_slice %arg5[%dma_wait3A_220] : memref<256xi32, #tpu.memory_space<vmem>> -> memref<16xi32, #tpu.memory_space<vmem>>
    %dma_wait3A_222 = arith.constant 0 : i32
    %dma_wait3A_223 = arith.constant 0 : i32
    %dma_wait3A_224 = tpu.memref_slice %arg2[%dma_wait3A_222, %dma_wait3A_223] : memref<4096x1024xf32, #tpu.memory_space<hbm>> -> memref<4096x1024xf32, #tpu.memory_space<hbm>>
    tpu.wait_indirect_dma semaphore(%arg14 : memref<!tpu.dma_semaphore, #tpu.memory_space<semaphore_mem>>) src(%dma_wait3A_224 : memref<4096x1024xf32, #tpu.memory_space<hbm>>) dst(%arg8 : memref<16x1024xf32, #tpu.memory_space<vmem>>)
    %add3A_225 = arith.constant 128 : i32
    %add3A_226 = arith.addi %select_n3A_32, %add3A_225 : i32
    %dma_start3A_227 = arith.constant 0 : i32
    %dma_start3A_228 = tpu.memref_slice %arg4[%select_n3A, %add3A_226, %dma_start3A_227] : memref<4x2048x1024xf32, #tpu.memory_space<hbm>> -> memref<1x16x1024xf32, #tpu.memory_space<hbm>>
    %dma_start3A_229 = tpu.memref_squeeze %dma_start3A_228 : memref<1x16x1024xf32, #tpu.memory_space<hbm>> -> memref<16x1024xf32, #tpu.memory_space<hbm>>
    %dma_start3A_230 = arith.constant 0 : i32
    %dma_start3A_231 = tpu.memref_slice %arg4[%select_n3A, %add3A_226, %dma_start3A_230] : memref<4x2048x1024xf32, #tpu.memory_space<hbm>> -> memref<1x16x1024xf32, #tpu.memory_space<hbm>>
    %dma_start3A_232 = tpu.memref_squeeze %dma_start3A_231 : memref<1x16x1024xf32, #tpu.memory_space<hbm>> -> memref<16x1024xf32, #tpu.memory_space<hbm>>
    tpu.enqueue_dma source(%arg8 : memref<16x1024xf32, #tpu.memory_space<vmem>>) target(%dma_start3A_232 : memref<16x1024xf32, #tpu.memory_space<hbm>>) target_semaphore(%arg20 : memref<!tpu.dma_semaphore, #tpu.memory_space<semaphore_mem>>)
    %dma_wait3A_233 = arith.constant 0 : i32
    %dma_wait3A_234 = tpu.memref_slice %arg4[%select_n3A, %add3A_154, %dma_wait3A_233] : memref<4x2048x1024xf32, #tpu.memory_space<hbm>> -> memref<1x16x1024xf32, #tpu.memory_space<hbm>>
    %dma_wait3A_235 = tpu.memref_squeeze %dma_wait3A_234 : memref<1x16x1024xf32, #tpu.memory_space<hbm>> -> memref<16x1024xf32, #tpu.memory_space<hbm>>
    %dma_wait3A_236 = arith.constant 0 : i32
    %dma_wait3A_237 = tpu.memref_slice %arg4[%select_n3A, %add3A_154, %dma_wait3A_236] : memref<4x2048x1024xf32, #tpu.memory_space<hbm>> -> memref<1x16x1024xf32, #tpu.memory_space<hbm>>
    %dma_wait3A_238 = tpu.memref_squeeze %dma_wait3A_237 : memref<1x16x1024xf32, #tpu.memory_space<hbm>> -> memref<16x1024xf32, #tpu.memory_space<hbm>>
    tpu.wait_dma2 semaphore(%arg23 : memref<!tpu.dma_semaphore, #tpu.memory_space<semaphore_mem>>) src(%arg11 : memref<16x1024xf32, #tpu.memory_space<vmem>>) dst(%dma_wait3A_238 : memref<16x1024xf32, #tpu.memory_space<hbm>>)
    %dma_start3A_239 = arith.constant 176 : i32
    %dma_start3A_240 = tpu.memref_slice %arg5[%dma_start3A_239] : memref<256xi32, #tpu.memory_space<vmem>> -> memref<16xi32, #tpu.memory_space<vmem>>
    %dma_start3A_241 = arith.constant 0 : i32
    %dma_start3A_242 = arith.constant 0 : i32
    %dma_start3A_243 = tpu.memref_slice %arg2[%dma_start3A_241, %dma_start3A_242] : memref<4096x1024xf32, #tpu.memory_space<hbm>> -> memref<4096x1024xf32, #tpu.memory_space<hbm>>
    tpu.enqueue_indirect_dma source(%dma_start3A_243 : memref<4096x1024xf32, #tpu.memory_space<hbm>>) target(%arg11 : memref<16x1024xf32, #tpu.memory_space<vmem>>) offsets(%dma_start3A_240 : memref<16xi32, #tpu.memory_space<vmem>>) semaphore(%arg17 : memref<!tpu.dma_semaphore, #tpu.memory_space<semaphore_mem>>)
    %dma_wait3A_244 = arith.constant 144 : i32
    %dma_wait3A_245 = tpu.memref_slice %arg5[%dma_wait3A_244] : memref<256xi32, #tpu.memory_space<vmem>> -> memref<16xi32, #tpu.memory_space<vmem>>
    %dma_wait3A_246 = arith.constant 0 : i32
    %dma_wait3A_247 = arith.constant 0 : i32
    %dma_wait3A_248 = tpu.memref_slice %arg2[%dma_wait3A_246, %dma_wait3A_247] : memref<4096x1024xf32, #tpu.memory_space<hbm>> -> memref<4096x1024xf32, #tpu.memory_space<hbm>>
    tpu.wait_indirect_dma semaphore(%arg15 : memref<!tpu.dma_semaphore, #tpu.memory_space<semaphore_mem>>) src(%dma_wait3A_248 : memref<4096x1024xf32, #tpu.memory_space<hbm>>) dst(%arg9 : memref<16x1024xf32, #tpu.memory_space<vmem>>)
    %add3A_249 = arith.constant 144 : i32
    %add3A_250 = arith.addi %select_n3A_32, %add3A_249 : i32
    %dma_start3A_251 = arith.constant 0 : i32
    %dma_start3A_252 = tpu.memref_slice %arg4[%select_n3A, %add3A_250, %dma_start3A_251] : memref<4x2048x1024xf32, #tpu.memory_space<hbm>> -> memref<1x16x1024xf32, #tpu.memory_space<hbm>>
    %dma_start3A_253 = tpu.memref_squeeze %dma_start3A_252 : memref<1x16x1024xf32, #tpu.memory_space<hbm>> -> memref<16x1024xf32, #tpu.memory_space<hbm>>
    %dma_start3A_254 = arith.constant 0 : i32
    %dma_start3A_255 = tpu.memref_slice %arg4[%select_n3A, %add3A_250, %dma_start3A_254] : memref<4x2048x1024xf32, #tpu.memory_space<hbm>> -> memref<1x16x1024xf32, #tpu.memory_space<hbm>>
    %dma_start3A_256 = tpu.memref_squeeze %dma_start3A_255 : memref<1x16x1024xf32, #tpu.memory_space<hbm>> -> memref<16x1024xf32, #tpu.memory_space<hbm>>
    tpu.enqueue_dma source(%arg9 : memref<16x1024xf32, #tpu.memory_space<vmem>>) target(%dma_start3A_256 : memref<16x1024xf32, #tpu.memory_space<hbm>>) target_semaphore(%arg21 : memref<!tpu.dma_semaphore, #tpu.memory_space<semaphore_mem>>)
    %dma_wait3A_257 = arith.constant 0 : i32
    %dma_wait3A_258 = tpu.memref_slice %arg4[%select_n3A, %add3A_178, %dma_wait3A_257] : memref<4x2048x1024xf32, #tpu.memory_space<hbm>> -> memref<1x16x1024xf32, #tpu.memory_space<hbm>>
    %dma_wait3A_259 = tpu.memref_squeeze %dma_wait3A_258 : memref<1x16x1024xf32, #tpu.memory_space<hbm>> -> memref<16x1024xf32, #tpu.memory_space<hbm>>
    %dma_wait3A_260 = arith.constant 0 : i32
    %dma_wait3A_261 = tpu.memref_slice %arg4[%select_n3A, %add3A_178, %dma_wait3A_260] : memref<4x2048x1024xf32, #tpu.memory_space<hbm>> -> memref<1x16x1024xf32, #tpu.memory_space<hbm>>
    %dma_wait3A_262 = tpu.memref_squeeze %dma_wait3A_261 : memref<1x16x1024xf32, #tpu.memory_space<hbm>> -> memref<16x1024xf32, #tpu.memory_space<hbm>>
    tpu.wait_dma2 semaphore(%arg18 : memref<!tpu.dma_semaphore, #tpu.memory_space<semaphore_mem>>) src(%arg6 : memref<16x1024xf32, #tpu.memory_space<vmem>>) dst(%dma_wait3A_262 : memref<16x1024xf32, #tpu.memory_space<hbm>>)
    %dma_start3A_263 = arith.constant 192 : i32
    %dma_start3A_264 = tpu.memref_slice %arg5[%dma_start3A_263] : memref<256xi32, #tpu.memory_space<vmem>> -> memref<16xi32, #tpu.memory_space<vmem>>
    %dma_start3A_265 = arith.constant 0 : i32
    %dma_start3A_266 = arith.constant 0 : i32
    %dma_start3A_267 = tpu.memref_slice %arg2[%dma_start3A_265, %dma_start3A_266] : memref<4096x1024xf32, #tpu.memory_space<hbm>> -> memref<4096x1024xf32, #tpu.memory_space<hbm>>
    tpu.enqueue_indirect_dma source(%dma_start3A_267 : memref<4096x1024xf32, #tpu.memory_space<hbm>>) target(%arg6 : memref<16x1024xf32, #tpu.memory_space<vmem>>) offsets(%dma_start3A_264 : memref<16xi32, #tpu.memory_space<vmem>>) semaphore(%arg12 : memref<!tpu.dma_semaphore, #tpu.memory_space<semaphore_mem>>)
    %dma_wait3A_268 = arith.constant 160 : i32
    %dma_wait3A_269 = tpu.memref_slice %arg5[%dma_wait3A_268] : memref<256xi32, #tpu.memory_space<vmem>> -> memref<16xi32, #tpu.memory_space<vmem>>
    %dma_wait3A_270 = arith.constant 0 : i32
    %dma_wait3A_271 = arith.constant 0 : i32
    %dma_wait3A_272 = tpu.memref_slice %arg2[%dma_wait3A_270, %dma_wait3A_271] : memref<4096x1024xf32, #tpu.memory_space<hbm>> -> memref<4096x1024xf32, #tpu.memory_space<hbm>>
    tpu.wait_indirect_dma semaphore(%arg16 : memref<!tpu.dma_semaphore, #tpu.memory_space<semaphore_mem>>) src(%dma_wait3A_272 : memref<4096x1024xf32, #tpu.memory_space<hbm>>) dst(%arg10 : memref<16x1024xf32, #tpu.memory_space<vmem>>)
    %add3A_273 = arith.constant 160 : i32
    %add3A_274 = arith.addi %select_n3A_32, %add3A_273 : i32
    %dma_start3A_275 = arith.constant 0 : i32
    %dma_start3A_276 = tpu.memref_slice %arg4[%select_n3A, %add3A_274, %dma_start3A_275] : memref<4x2048x1024xf32, #tpu.memory_space<hbm>> -> memref<1x16x1024xf32, #tpu.memory_space<hbm>>
    %dma_start3A_277 = tpu.memref_squeeze %dma_start3A_276 : memref<1x16x1024xf32, #tpu.memory_space<hbm>> -> memref<16x1024xf32, #tpu.memory_space<hbm>>
    %dma_start3A_278 = arith.constant 0 : i32
    %dma_start3A_279 = tpu.memref_slice %arg4[%select_n3A, %add3A_274, %dma_start3A_278] : memref<4x2048x1024xf32, #tpu.memory_space<hbm>> -> memref<1x16x1024xf32, #tpu.memory_space<hbm>>
    %dma_start3A_280 = tpu.memref_squeeze %dma_start3A_279 : memref<1x16x1024xf32, #tpu.memory_space<hbm>> -> memref<16x1024xf32, #tpu.memory_space<hbm>>
    tpu.enqueue_dma source(%arg10 : memref<16x1024xf32, #tpu.memory_space<vmem>>) target(%dma_start3A_280 : memref<16x1024xf32, #tpu.memory_space<hbm>>) target_semaphore(%arg22 : memref<!tpu.dma_semaphore, #tpu.memory_space<semaphore_mem>>)
    %dma_wait3A_281 = arith.constant 0 : i32
    %dma_wait3A_282 = tpu.memref_slice %arg4[%select_n3A, %add3A_202, %dma_wait3A_281] : memref<4x2048x1024xf32, #tpu.memory_space<hbm>> -> memref<1x16x1024xf32, #tpu.memory_space<hbm>>
    %dma_wait3A_283 = tpu.memref_squeeze %dma_wait3A_282 : memref<1x16x1024xf32, #tpu.memory_space<hbm>> -> memref<16x1024xf32, #tpu.memory_space<hbm>>
    %dma_wait3A_284 = arith.constant 0 : i32
    %dma_wait3A_285 = tpu.memref_slice %arg4[%select_n3A, %add3A_202, %dma_wait3A_284] : memref<4x2048x1024xf32, #tpu.memory_space<hbm>> -> memref<1x16x1024xf32, #tpu.memory_space<hbm>>
    %dma_wait3A_286 = tpu.memref_squeeze %dma_wait3A_285 : memref<1x16x1024xf32, #tpu.memory_space<hbm>> -> memref<16x1024xf32, #tpu.memory_space<hbm>>
    tpu.wait_dma2 semaphore(%arg19 : memref<!tpu.dma_semaphore, #tpu.memory_space<semaphore_mem>>) src(%arg7 : memref<16x1024xf32, #tpu.memory_space<vmem>>) dst(%dma_wait3A_286 : memref<16x1024xf32, #tpu.memory_space<hbm>>)
    %dma_start3A_287 = arith.constant 208 : i32
    %dma_start3A_288 = tpu.memref_slice %arg5[%dma_start3A_287] : memref<256xi32, #tpu.memory_space<vmem>> -> memref<16xi32, #tpu.memory_space<vmem>>
    %dma_start3A_289 = arith.constant 0 : i32
    %dma_start3A_290 = arith.constant 0 : i32
    %dma_start3A_291 = tpu.memref_slice %arg2[%dma_start3A_289, %dma_start3A_290] : memref<4096x1024xf32, #tpu.memory_space<hbm>> -> memref<4096x1024xf32, #tpu.memory_space<hbm>>
    tpu.enqueue_indirect_dma source(%dma_start3A_291 : memref<4096x1024xf32, #tpu.memory_space<hbm>>) target(%arg7 : memref<16x1024xf32, #tpu.memory_space<vmem>>) offsets(%dma_start3A_288 : memref<16xi32, #tpu.memory_space<vmem>>) semaphore(%arg13 : memref<!tpu.dma_semaphore, #tpu.memory_space<semaphore_mem>>)
    %dma_wait3A_292 = arith.constant 176 : i32
    %dma_wait3A_293 = tpu.memref_slice %arg5[%dma_wait3A_292] : memref<256xi32, #tpu.memory_space<vmem>> -> memref<16xi32, #tpu.memory_space<vmem>>
    %dma_wait3A_294 = arith.constant 0 : i32
    %dma_wait3A_295 = arith.constant 0 : i32
    %dma_wait3A_296 = tpu.memref_slice %arg2[%dma_wait3A_294, %dma_wait3A_295] : memref<4096x1024xf32, #tpu.memory_space<hbm>> -> memref<4096x1024xf32, #tpu.memory_space<hbm>>
    tpu.wait_indirect_dma semaphore(%arg17 : memref<!tpu.dma_semaphore, #tpu.memory_space<semaphore_mem>>) src(%dma_wait3A_296 : memref<4096x1024xf32, #tpu.memory_space<hbm>>) dst(%arg11 : memref<16x1024xf32, #tpu.memory_space<vmem>>)
    %add3A_297 = arith.constant 176 : i32
    %add3A_298 = arith.addi %select_n3A_32, %add3A_297 : i32
    %dma_start3A_299 = arith.constant 0 : i32
    %dma_start3A_300 = tpu.memref_slice %arg4[%select_n3A, %add3A_298, %dma_start3A_299] : memref<4x2048x1024xf32, #tpu.memory_space<hbm>> -> memref<1x16x1024xf32, #tpu.memory_space<hbm>>
    %dma_start3A_301 = tpu.memref_squeeze %dma_start3A_300 : memref<1x16x1024xf32, #tpu.memory_space<hbm>> -> memref<16x1024xf32, #tpu.memory_space<hbm>>
    %dma_start3A_302 = arith.constant 0 : i32
    %dma_start3A_303 = tpu.memref_slice %arg4[%select_n3A, %add3A_298, %dma_start3A_302] : memref<4x2048x1024xf32, #tpu.memory_space<hbm>> -> memref<1x16x1024xf32, #tpu.memory_space<hbm>>
    %dma_start3A_304 = tpu.memref_squeeze %dma_start3A_303 : memref<1x16x1024xf32, #tpu.memory_space<hbm>> -> memref<16x1024xf32, #tpu.memory_space<hbm>>
    tpu.enqueue_dma source(%arg11 : memref<16x1024xf32, #tpu.memory_space<vmem>>) target(%dma_start3A_304 : memref<16x1024xf32, #tpu.memory_space<hbm>>) target_semaphore(%arg23 : memref<!tpu.dma_semaphore, #tpu.memory_space<semaphore_mem>>)
    %dma_wait3A_305 = arith.constant 0 : i32
    %dma_wait3A_306 = tpu.memref_slice %arg4[%select_n3A, %add3A_226, %dma_wait3A_305] : memref<4x2048x1024xf32, #tpu.memory_space<hbm>> -> memref<1x16x1024xf32, #tpu.memory_space<hbm>>
    %dma_wait3A_307 = tpu.memref_squeeze %dma_wait3A_306 : memref<1x16x1024xf32, #tpu.memory_space<hbm>> -> memref<16x1024xf32, #tpu.memory_space<hbm>>
    %dma_wait3A_308 = arith.constant 0 : i32
    %dma_wait3A_309 = tpu.memref_slice %arg4[%select_n3A, %add3A_226, %dma_wait3A_308] : memref<4x2048x1024xf32, #tpu.memory_space<hbm>> -> memref<1x16x1024xf32, #tpu.memory_space<hbm>>
    %dma_wait3A_310 = tpu.memref_squeeze %dma_wait3A_309 : memref<1x16x1024xf32, #tpu.memory_space<hbm>> -> memref<16x1024xf32, #tpu.memory_space<hbm>>
    tpu.wait_dma2 semaphore(%arg20 : memref<!tpu.dma_semaphore, #tpu.memory_space<semaphore_mem>>) src(%arg8 : memref<16x1024xf32, #tpu.memory_space<vmem>>) dst(%dma_wait3A_310 : memref<16x1024xf32, #tpu.memory_space<hbm>>)
    %dma_start3A_311 = arith.constant 224 : i32
    %dma_start3A_312 = tpu.memref_slice %arg5[%dma_start3A_311] : memref<256xi32, #tpu.memory_space<vmem>> -> memref<16xi32, #tpu.memory_space<vmem>>
    %dma_start3A_313 = arith.constant 0 : i32
    %dma_start3A_314 = arith.constant 0 : i32
    %dma_start3A_315 = tpu.memref_slice %arg2[%dma_start3A_313, %dma_start3A_314] : memref<4096x1024xf32, #tpu.memory_space<hbm>> -> memref<4096x1024xf32, #tpu.memory_space<hbm>>
    tpu.enqueue_indirect_dma source(%dma_start3A_315 : memref<4096x1024xf32, #tpu.memory_space<hbm>>) target(%arg8 : memref<16x1024xf32, #tpu.memory_space<vmem>>) offsets(%dma_start3A_312 : memref<16xi32, #tpu.memory_space<vmem>>) semaphore(%arg14 : memref<!tpu.dma_semaphore, #tpu.memory_space<semaphore_mem>>)
    %dma_wait3A_316 = arith.constant 192 : i32
    %dma_wait3A_317 = tpu.memref_slice %arg5[%dma_wait3A_316] : memref<256xi32, #tpu.memory_space<vmem>> -> memref<16xi32, #tpu.memory_space<vmem>>
    %dma_wait3A_318 = arith.constant 0 : i32
    %dma_wait3A_319 = arith.constant 0 : i32
    %dma_wait3A_320 = tpu.memref_slice %arg2[%dma_wait3A_318, %dma_wait3A_319] : memref<4096x1024xf32, #tpu.memory_space<hbm>> -> memref<4096x1024xf32, #tpu.memory_space<hbm>>
    tpu.wait_indirect_dma semaphore(%arg12 : memref<!tpu.dma_semaphore, #tpu.memory_space<semaphore_mem>>) src(%dma_wait3A_320 : memref<4096x1024xf32, #tpu.memory_space<hbm>>) dst(%arg6 : memref<16x1024xf32, #tpu.memory_space<vmem>>)
    %add3A_321 = arith.constant 192 : i32
    %add3A_322 = arith.addi %select_n3A_32, %add3A_321 : i32
    %dma_start3A_323 = arith.constant 0 : i32
    %dma_start3A_324 = tpu.memref_slice %arg4[%select_n3A, %add3A_322, %dma_start3A_323] : memref<4x2048x1024xf32, #tpu.memory_space<hbm>> -> memref<1x16x1024xf32, #tpu.memory_space<hbm>>
    %dma_start3A_325 = tpu.memref_squeeze %dma_start3A_324 : memref<1x16x1024xf32, #tpu.memory_space<hbm>> -> memref<16x1024xf32, #tpu.memory_space<hbm>>
    %dma_start3A_326 = arith.constant 0 : i32
    %dma_start3A_327 = tpu.memref_slice %arg4[%select_n3A, %add3A_322, %dma_start3A_326] : memref<4x2048x1024xf32, #tpu.memory_space<hbm>> -> memref<1x16x1024xf32, #tpu.memory_space<hbm>>
    %dma_start3A_328 = tpu.memref_squeeze %dma_start3A_327 : memref<1x16x1024xf32, #tpu.memory_space<hbm>> -> memref<16x1024xf32, #tpu.memory_space<hbm>>
    tpu.enqueue_dma source(%arg6 : memref<16x1024xf32, #tpu.memory_space<vmem>>) target(%dma_start3A_328 : memref<16x1024xf32, #tpu.memory_space<hbm>>) target_semaphore(%arg18 : memref<!tpu.dma_semaphore, #tpu.memory_space<semaphore_mem>>)
    %dma_wait3A_329 = arith.constant 0 : i32
    %dma_wait3A_330 = tpu.memref_slice %arg4[%select_n3A, %add3A_250, %dma_wait3A_329] : memref<4x2048x1024xf32, #tpu.memory_space<hbm>> -> memref<1x16x1024xf32, #tpu.memory_space<hbm>>
    %dma_wait3A_331 = tpu.memref_squeeze %dma_wait3A_330 : memref<1x16x1024xf32, #tpu.memory_space<hbm>> -> memref<16x1024xf32, #tpu.memory_space<hbm>>
    %dma_wait3A_332 = arith.constant 0 : i32
    %dma_wait3A_333 = tpu.memref_slice %arg4[%select_n3A, %add3A_250, %dma_wait3A_332] : memref<4x2048x1024xf32, #tpu.memory_space<hbm>> -> memref<1x16x1024xf32, #tpu.memory_space<hbm>>
    %dma_wait3A_334 = tpu.memref_squeeze %dma_wait3A_333 : memref<1x16x1024xf32, #tpu.memory_space<hbm>> -> memref<16x1024xf32, #tpu.memory_space<hbm>>
    tpu.wait_dma2 semaphore(%arg21 : memref<!tpu.dma_semaphore, #tpu.memory_space<semaphore_mem>>) src(%arg9 : memref<16x1024xf32, #tpu.memory_space<vmem>>) dst(%dma_wait3A_334 : memref<16x1024xf32, #tpu.memory_space<hbm>>)
    %dma_start3A_335 = arith.constant 240 : i32
    %dma_start3A_336 = tpu.memref_slice %arg5[%dma_start3A_335] : memref<256xi32, #tpu.memory_space<vmem>> -> memref<16xi32, #tpu.memory_space<vmem>>
    %dma_start3A_337 = arith.constant 0 : i32
    %dma_start3A_338 = arith.constant 0 : i32
    %dma_start3A_339 = tpu.memref_slice %arg2[%dma_start3A_337, %dma_start3A_338] : memref<4096x1024xf32, #tpu.memory_space<hbm>> -> memref<4096x1024xf32, #tpu.memory_space<hbm>>
    tpu.enqueue_indirect_dma source(%dma_start3A_339 : memref<4096x1024xf32, #tpu.memory_space<hbm>>) target(%arg9 : memref<16x1024xf32, #tpu.memory_space<vmem>>) offsets(%dma_start3A_336 : memref<16xi32, #tpu.memory_space<vmem>>) semaphore(%arg15 : memref<!tpu.dma_semaphore, #tpu.memory_space<semaphore_mem>>)
    %dma_wait3A_340 = arith.constant 208 : i32
    %dma_wait3A_341 = tpu.memref_slice %arg5[%dma_wait3A_340] : memref<256xi32, #tpu.memory_space<vmem>> -> memref<16xi32, #tpu.memory_space<vmem>>
    %dma_wait3A_342 = arith.constant 0 : i32
    %dma_wait3A_343 = arith.constant 0 : i32
    %dma_wait3A_344 = tpu.memref_slice %arg2[%dma_wait3A_342, %dma_wait3A_343] : memref<4096x1024xf32, #tpu.memory_space<hbm>> -> memref<4096x1024xf32, #tpu.memory_space<hbm>>
    tpu.wait_indirect_dma semaphore(%arg13 : memref<!tpu.dma_semaphore, #tpu.memory_space<semaphore_mem>>) src(%dma_wait3A_344 : memref<4096x1024xf32, #tpu.memory_space<hbm>>) dst(%arg7 : memref<16x1024xf32, #tpu.memory_space<vmem>>)
    %add3A_345 = arith.constant 208 : i32
    %add3A_346 = arith.addi %select_n3A_32, %add3A_345 : i32
    %dma_start3A_347 = arith.constant 0 : i32
    %dma_start3A_348 = tpu.memref_slice %arg4[%select_n3A, %add3A_346, %dma_start3A_347] : memref<4x2048x1024xf32, #tpu.memory_space<hbm>> -> memref<1x16x1024xf32, #tpu.memory_space<hbm>>
    %dma_start3A_349 = tpu.memref_squeeze %dma_start3A_348 : memref<1x16x1024xf32, #tpu.memory_space<hbm>> -> memref<16x1024xf32, #tpu.memory_space<hbm>>
    %dma_start3A_350 = arith.constant 0 : i32
    %dma_start3A_351 = tpu.memref_slice %arg4[%select_n3A, %add3A_346, %dma_start3A_350] : memref<4x2048x1024xf32, #tpu.memory_space<hbm>> -> memref<1x16x1024xf32, #tpu.memory_space<hbm>>
    %dma_start3A_352 = tpu.memref_squeeze %dma_start3A_351 : memref<1x16x1024xf32, #tpu.memory_space<hbm>> -> memref<16x1024xf32, #tpu.memory_space<hbm>>
    tpu.enqueue_dma source(%arg7 : memref<16x1024xf32, #tpu.memory_space<vmem>>) target(%dma_start3A_352 : memref<16x1024xf32, #tpu.memory_space<hbm>>) target_semaphore(%arg19 : memref<!tpu.dma_semaphore, #tpu.memory_space<semaphore_mem>>)
    %dma_wait3A_353 = arith.constant 224 : i32
    %dma_wait3A_354 = tpu.memref_slice %arg5[%dma_wait3A_353] : memref<256xi32, #tpu.memory_space<vmem>> -> memref<16xi32, #tpu.memory_space<vmem>>
    %dma_wait3A_355 = arith.constant 0 : i32
    %dma_wait3A_356 = arith.constant 0 : i32
    %dma_wait3A_357 = tpu.memref_slice %arg2[%dma_wait3A_355, %dma_wait3A_356] : memref<4096x1024xf32, #tpu.memory_space<hbm>> -> memref<4096x1024xf32, #tpu.memory_space<hbm>>
    tpu.wait_indirect_dma semaphore(%arg14 : memref<!tpu.dma_semaphore, #tpu.memory_space<semaphore_mem>>) src(%dma_wait3A_357 : memref<4096x1024xf32, #tpu.memory_space<hbm>>) dst(%arg8 : memref<16x1024xf32, #tpu.memory_space<vmem>>)
    %add3A_358 = arith.constant 224 : i32
    %add3A_359 = arith.addi %select_n3A_32, %add3A_358 : i32
    %dma_start3A_360 = arith.constant 0 : i32
    %dma_start3A_361 = tpu.memref_slice %arg4[%select_n3A, %add3A_359, %dma_start3A_360] : memref<4x2048x1024xf32, #tpu.memory_space<hbm>> -> memref<1x16x1024xf32, #tpu.memory_space<hbm>>
    %dma_start3A_362 = tpu.memref_squeeze %dma_start3A_361 : memref<1x16x1024xf32, #tpu.memory_space<hbm>> -> memref<16x1024xf32, #tpu.memory_space<hbm>>
    %dma_start3A_363 = arith.constant 0 : i32
    %dma_start3A_364 = tpu.memref_slice %arg4[%select_n3A, %add3A_359, %dma_start3A_363] : memref<4x2048x1024xf32, #tpu.memory_space<hbm>> -> memref<1x16x1024xf32, #tpu.memory_space<hbm>>
    %dma_start3A_365 = tpu.memref_squeeze %dma_start3A_364 : memref<1x16x1024xf32, #tpu.memory_space<hbm>> -> memref<16x1024xf32, #tpu.memory_space<hbm>>
    tpu.enqueue_dma source(%arg8 : memref<16x1024xf32, #tpu.memory_space<vmem>>) target(%dma_start3A_365 : memref<16x1024xf32, #tpu.memory_space<hbm>>) target_semaphore(%arg20 : memref<!tpu.dma_semaphore, #tpu.memory_space<semaphore_mem>>)
    %dma_wait3A_366 = arith.constant 240 : i32
    %dma_wait3A_367 = tpu.memref_slice %arg5[%dma_wait3A_366] : memref<256xi32, #tpu.memory_space<vmem>> -> memref<16xi32, #tpu.memory_space<vmem>>
    %dma_wait3A_368 = arith.constant 0 : i32
    %dma_wait3A_369 = arith.constant 0 : i32
    %dma_wait3A_370 = tpu.memref_slice %arg2[%dma_wait3A_368, %dma_wait3A_369] : memref<4096x1024xf32, #tpu.memory_space<hbm>> -> memref<4096x1024xf32, #tpu.memory_space<hbm>>
    tpu.wait_indirect_dma semaphore(%arg15 : memref<!tpu.dma_semaphore, #tpu.memory_space<semaphore_mem>>) src(%dma_wait3A_370 : memref<4096x1024xf32, #tpu.memory_space<hbm>>) dst(%arg9 : memref<16x1024xf32, #tpu.memory_space<vmem>>)
    %add3A_371 = arith.constant 240 : i32
    %add3A_372 = arith.addi %select_n3A_32, %add3A_371 : i32
    %dma_start3A_373 = arith.constant 0 : i32
    %dma_start3A_374 = tpu.memref_slice %arg4[%select_n3A, %add3A_372, %dma_start3A_373] : memref<4x2048x1024xf32, #tpu.memory_space<hbm>> -> memref<1x16x1024xf32, #tpu.memory_space<hbm>>
    %dma_start3A_375 = tpu.memref_squeeze %dma_start3A_374 : memref<1x16x1024xf32, #tpu.memory_space<hbm>> -> memref<16x1024xf32, #tpu.memory_space<hbm>>
    %dma_start3A_376 = arith.constant 0 : i32
    %dma_start3A_377 = tpu.memref_slice %arg4[%select_n3A, %add3A_372, %dma_start3A_376] : memref<4x2048x1024xf32, #tpu.memory_space<hbm>> -> memref<1x16x1024xf32, #tpu.memory_space<hbm>>
    %dma_start3A_378 = tpu.memref_squeeze %dma_start3A_377 : memref<1x16x1024xf32, #tpu.memory_space<hbm>> -> memref<16x1024xf32, #tpu.memory_space<hbm>>
    tpu.enqueue_dma source(%arg9 : memref<16x1024xf32, #tpu.memory_space<vmem>>) target(%dma_start3A_378 : memref<16x1024xf32, #tpu.memory_space<hbm>>) target_semaphore(%arg21 : memref<!tpu.dma_semaphore, #tpu.memory_space<semaphore_mem>>)
    %dma_wait3A_379 = arith.constant 0 : i32
    %dma_wait3A_380 = tpu.memref_slice %arg4[%select_n3A, %add3A_274, %dma_wait3A_379] : memref<4x2048x1024xf32, #tpu.memory_space<hbm>> -> memref<1x16x1024xf32, #tpu.memory_space<hbm>>
    %dma_wait3A_381 = tpu.memref_squeeze %dma_wait3A_380 : memref<1x16x1024xf32, #tpu.memory_space<hbm>> -> memref<16x1024xf32, #tpu.memory_space<hbm>>
    %dma_wait3A_382 = arith.constant 0 : i32
    %dma_wait3A_383 = tpu.memref_slice %arg4[%select_n3A, %add3A_274, %dma_wait3A_382] : memref<4x2048x1024xf32, #tpu.memory_space<hbm>> -> memref<1x16x1024xf32, #tpu.memory_space<hbm>>
    %dma_wait3A_384 = tpu.memref_squeeze %dma_wait3A_383 : memref<1x16x1024xf32, #tpu.memory_space<hbm>> -> memref<16x1024xf32, #tpu.memory_space<hbm>>
    tpu.wait_dma2 semaphore(%arg22 : memref<!tpu.dma_semaphore, #tpu.memory_space<semaphore_mem>>) src(%arg10 : memref<16x1024xf32, #tpu.memory_space<vmem>>) dst(%dma_wait3A_384 : memref<16x1024xf32, #tpu.memory_space<hbm>>)
    %dma_wait3A_385 = arith.constant 0 : i32
    %dma_wait3A_386 = tpu.memref_slice %arg4[%select_n3A, %add3A_298, %dma_wait3A_385] : memref<4x2048x1024xf32, #tpu.memory_space<hbm>> -> memref<1x16x1024xf32, #tpu.memory_space<hbm>>
    %dma_wait3A_387 = tpu.memref_squeeze %dma_wait3A_386 : memref<1x16x1024xf32, #tpu.memory_space<hbm>> -> memref<16x1024xf32, #tpu.memory_space<hbm>>
    %dma_wait3A_388 = arith.constant 0 : i32
    %dma_wait3A_389 = tpu.memref_slice %arg4[%select_n3A, %add3A_298, %dma_wait3A_388] : memref<4x2048x1024xf32, #tpu.memory_space<hbm>> -> memref<1x16x1024xf32, #tpu.memory_space<hbm>>
    %dma_wait3A_390 = tpu.memref_squeeze %dma_wait3A_389 : memref<1x16x1024xf32, #tpu.memory_space<hbm>> -> memref<16x1024xf32, #tpu.memory_space<hbm>>
    tpu.wait_dma2 semaphore(%arg23 : memref<!tpu.dma_semaphore, #tpu.memory_space<semaphore_mem>>) src(%arg11 : memref<16x1024xf32, #tpu.memory_space<vmem>>) dst(%dma_wait3A_390 : memref<16x1024xf32, #tpu.memory_space<hbm>>)
    %dma_wait3A_391 = arith.constant 0 : i32
    %dma_wait3A_392 = tpu.memref_slice %arg4[%select_n3A, %add3A_322, %dma_wait3A_391] : memref<4x2048x1024xf32, #tpu.memory_space<hbm>> -> memref<1x16x1024xf32, #tpu.memory_space<hbm>>
    %dma_wait3A_393 = tpu.memref_squeeze %dma_wait3A_392 : memref<1x16x1024xf32, #tpu.memory_space<hbm>> -> memref<16x1024xf32, #tpu.memory_space<hbm>>
    %dma_wait3A_394 = arith.constant 0 : i32
    %dma_wait3A_395 = tpu.memref_slice %arg4[%select_n3A, %add3A_322, %dma_wait3A_394] : memref<4x2048x1024xf32, #tpu.memory_space<hbm>> -> memref<1x16x1024xf32, #tpu.memory_space<hbm>>
    %dma_wait3A_396 = tpu.memref_squeeze %dma_wait3A_395 : memref<1x16x1024xf32, #tpu.memory_space<hbm>> -> memref<16x1024xf32, #tpu.memory_space<hbm>>
    tpu.wait_dma2 semaphore(%arg18 : memref<!tpu.dma_semaphore, #tpu.memory_space<semaphore_mem>>) src(%arg6 : memref<16x1024xf32, #tpu.memory_space<vmem>>) dst(%dma_wait3A_396 : memref<16x1024xf32, #tpu.memory_space<hbm>>)
    %dma_wait3A_397 = arith.constant 0 : i32
    %dma_wait3A_398 = tpu.memref_slice %arg4[%select_n3A, %add3A_346, %dma_wait3A_397] : memref<4x2048x1024xf32, #tpu.memory_space<hbm>> -> memref<1x16x1024xf32, #tpu.memory_space<hbm>>
    %dma_wait3A_399 = tpu.memref_squeeze %dma_wait3A_398 : memref<1x16x1024xf32, #tpu.memory_space<hbm>> -> memref<16x1024xf32, #tpu.memory_space<hbm>>
    %dma_wait3A_400 = arith.constant 0 : i32
    %dma_wait3A_401 = tpu.memref_slice %arg4[%select_n3A, %add3A_346, %dma_wait3A_400] : memref<4x2048x1024xf32, #tpu.memory_space<hbm>> -> memref<1x16x1024xf32, #tpu.memory_space<hbm>>
    %dma_wait3A_402 = tpu.memref_squeeze %dma_wait3A_401 : memref<1x16x1024xf32, #tpu.memory_space<hbm>> -> memref<16x1024xf32, #tpu.memory_space<hbm>>
    tpu.wait_dma2 semaphore(%arg19 : memref<!tpu.dma_semaphore, #tpu.memory_space<semaphore_mem>>) src(%arg7 : memref<16x1024xf32, #tpu.memory_space<vmem>>) dst(%dma_wait3A_402 : memref<16x1024xf32, #tpu.memory_space<hbm>>)
    %dma_wait3A_403 = arith.constant 0 : i32
    %dma_wait3A_404 = tpu.memref_slice %arg4[%select_n3A, %add3A_359, %dma_wait3A_403] : memref<4x2048x1024xf32, #tpu.memory_space<hbm>> -> memref<1x16x1024xf32, #tpu.memory_space<hbm>>
    %dma_wait3A_405 = tpu.memref_squeeze %dma_wait3A_404 : memref<1x16x1024xf32, #tpu.memory_space<hbm>> -> memref<16x1024xf32, #tpu.memory_space<hbm>>
    %dma_wait3A_406 = arith.constant 0 : i32
    %dma_wait3A_407 = tpu.memref_slice %arg4[%select_n3A, %add3A_359, %dma_wait3A_406] : memref<4x2048x1024xf32, #tpu.memory_space<hbm>> -> memref<1x16x1024xf32, #tpu.memory_space<hbm>>
    %dma_wait3A_408 = tpu.memref_squeeze %dma_wait3A_407 : memref<1x16x1024xf32, #tpu.memory_space<hbm>> -> memref<16x1024xf32, #tpu.memory_space<hbm>>
    tpu.wait_dma2 semaphore(%arg20 : memref<!tpu.dma_semaphore, #tpu.memory_space<semaphore_mem>>) src(%arg8 : memref<16x1024xf32, #tpu.memory_space<vmem>>) dst(%dma_wait3A_408 : memref<16x1024xf32, #tpu.memory_space<hbm>>)
    %dma_wait3A_409 = arith.constant 0 : i32
    %dma_wait3A_410 = tpu.memref_slice %arg4[%select_n3A, %add3A_372, %dma_wait3A_409] : memref<4x2048x1024xf32, #tpu.memory_space<hbm>> -> memref<1x16x1024xf32, #tpu.memory_space<hbm>>
    %dma_wait3A_411 = tpu.memref_squeeze %dma_wait3A_410 : memref<1x16x1024xf32, #tpu.memory_space<hbm>> -> memref<16x1024xf32, #tpu.memory_space<hbm>>
    %dma_wait3A_412 = arith.constant 0 : i32
    %dma_wait3A_413 = tpu.memref_slice %arg4[%select_n3A, %add3A_372, %dma_wait3A_412] : memref<4x2048x1024xf32, #tpu.memory_space<hbm>> -> memref<1x16x1024xf32, #tpu.memory_space<hbm>>
    %dma_wait3A_414 = tpu.memref_squeeze %dma_wait3A_413 : memref<1x16x1024xf32, #tpu.memory_space<hbm>> -> memref<16x1024xf32, #tpu.memory_space<hbm>>
    tpu.wait_dma2 semaphore(%arg21 : memref<!tpu.dma_semaphore, #tpu.memory_space<semaphore_mem>>) src(%arg9 : memref<16x1024xf32, #tpu.memory_space<vmem>>) dst(%dma_wait3A_414 : memref<16x1024xf32, #tpu.memory_space<hbm>>)
    return
  }
}

</mosaic_0001>

<sc_bundles>
// kernel: kernel.3.cloned.1.call-start
scs
__scs_entry_jumppad:
0x0: {  	(pc) =	sbr.rel $0x88, $3  }
0x1: {  	(tag) =	ssettag $0x0;
	lr =	simm.s32 $0x1  }
0x2: {  	[smem:$0x3F9F] =	sst lr;
	_ =	strace $0xD0000000  }
0x3: {  	_ = 	snop  }
0x4: {  	_ = 	snop  }
0x5: {  	_ = 	snop  }
0x6: {  	_ = 	snop  }
0x7: {  	_ = 	snop  }
__scs_overlays_trampoline_lowered:
0x8: {  	[smem:$0x3FAE] =	sst s0  }
0x9: {  	[smem:$0x3FAF] =	sst s1  }
0xa: {  	[smem:$0x3FB0] =	sst s2  }
0xb: {  	[smem:$0x3FB1] =	sst s3  }
0xc: {  	[smem:$0x3FB2] =	sst s4  }
0xd: {  	[smem:$0x3FB3] =	sst s5  }
0xe: {  	[smem:$0x3FB4] =	sst s6  }
0xf: {  	[smem:$0x3FB5] =	sst s7  }
0x10: {  	[smem:$0x3FB6] =	sst s8  }
0x11: {  	[smem:$0x3FB7] =	sst s9;
	s0 =	simm.s32 @!p0 $0x0  }
0x12: {  	s1 =	sld [smem:$0x3F9D];
	s0 =	simm.s32 @p0 $0x1  }
0x13: {  	[smem:$0x3FB8] =	sst s0;
	s0 =	simm.s32 @!p1 $0x0  }
0x14: {  	s2 =	sld [smem:$0x3F9C];
	s0 =	simm.s32 @p1 $0x1  }
0x15: {  	[smem:$0x3FB9] =	sst s0;
	s0 =	simm.s32 @!p2 $0x0  }
0x16: {  	s3 =	sld [smem:$0x3FDB];
	s0 =	simm.s32 @p2 $0x1  }
0x17: {  	s4 =	simm.s32 $0x1BF5;
	[smem:$0x3FBB] =	sst s0  }
0x18: {  	s0 =	sld [smem:$0x3F9E];
	_ =	swait.ge [sflag:s4], $0x0  }
0x19: {  	s7 =	sld [smem:$0x3F9F]  }
0x1a: {  	s8 =	sadd.s32 $0xFFFFE003, lr  }
0x1b: {  	s9 =	sadd.s32 $0xFFFFFEF7, lr;
	s5 =	simm.s32 $0xFFFFFFFF;
	p2 =	slt.u32 s8, $0xFFFFF086  }
0x1c: {  	p1 =	slt.u32 s9, $0xF7A;
	s5 =	simm.s32 @!p2 $0x0  }
0x1d: {  	s5 =	simm.s32 @p1 $0x1;
	p0 =	seq.s32 s7, s2  }
0x1e: {  	s7 =	smul.u32 @!p0 $0xF7A, s2;
	p2 =	seq.s32 @!p0 s5, $0x0  }
0x1f: {  	s9 =	smul.u32 $0xF7A, s1;
	s8 =	simm.s32 @!p0 $0x1BF5;
	p2 =	por !p2, p0  }
0x20: {  	[sflag:s8] =	ssyncset.s32 @!p0 $0xFFFFF086;
	s6 =	sadd.s32 @!p0 s3, s7;
	s7 =	simm.s32 @!p0 $0x108  }
0x21: {  	s3 =	sadd.s32 s3, s9;
	s6 =	sadd.s32 @!p0 $0x88, s6;
	s7 =	simm.s32 @p2 $0x1082  }
0x22: {  	[simem:s7], [sflag:s8] =	dma.local @!p0 [hbm:s6], $0xF7A  }
0x23: {  	s9 =	sor.u32 $0xD0000000, s2;
	s6 =	simm.s32 $0x108;
	_ =	swait.ge @!p0 [sflag:s8], $0x0  }
0x24: {  	s3 =	sadd.s32 $0x88, s3;
	s6 =	simm.s32 @!p1 $0x1082;
	[sflag:s4] =	ssyncset.s32 $0xFFFFF086  }
0x25: {  	[simem:s6], [sflag:s4] =	dma.local [hbm:s3], $0xF7A  }
0x26: {  	[smem:$0x3F9F] =	sst s1;
	(tag) =	ssettag s2;
	_ =	strace s9  }
0x27: {  	s1 =	sld [smem:$0x3FAF]  }
0x28: {  	s2 =	sld [smem:$0x3FB0]  }
0x29: {  	s4 =	sld [smem:$0x3FB2]  }
0x2a: {  	p0 =	seq.s32 s5, $0x0;
	s5 =	sld [smem:$0x3FB3]  }
0x2b: {  	s6 =	sld [smem:$0x3FB4]  }
0x2c: {  	s7 =	sld [smem:$0x3FB5]  }
0x2d: {  	s3 =	simm.s32 $0x108;
	s8 =	sld [smem:$0x3FB6]  }
0x2e: {  	s3 =	simm.s32 @!p0 $0x1082;
	s9 =	sld [smem:$0x3FB7]  }
0x2f: {  	lr =	sadd.s32 s0, s3;
	s0 =	sld [smem:$0x3FAE]  }
0x30: {  	s3 =	sld [smem:$0x3FB1]  }
0x31: {  	[smem:$0x3FBA] =	sst s10  }
0x32: {  	s10 =	sld [smem:$0x3FB8];
	_ =	sdelay $0x3  }
0x33: {  	p0 =	seq.s32 s10, $0x1;
	s10 =	sld [smem:$0x3FBA];
	_ =	sdelay $0x3  }
0x34: {  	[smem:$0x3FBA] =	sst s10  }
0x35: {  	s10 =	sld [smem:$0x3FB9];
	_ =	sdelay $0x3  }
0x36: {  	p1 =	seq.s32 s10, $0x1;
	s10 =	sld [smem:$0x3FBA];
	_ =	sdelay $0x3  }
0x37: {  	[smem:$0x3FBA] =	sst s10  }
0x38: {  	s10 =	sld [smem:$0x3FBB]  }
0x39: {  	_ = 	snop;
	(pc) =	sbr.ind lr, $3  }
0x3a: {  	_ = 	snop  }
0x3b: {  	_ = 	snop  }
0x3c: {  	p2 =	seq.s32 s10, $0x1;
	s10 =	sld [smem:$0x3FBA]  }
0x3d: {  	_ =	shalt  }
0x3e: {  	_ =	shalt  }
0x3f: {  	_ =	shalt  }
0x40: {  	_ =	shalt  }
0x41: {  	_ =	shalt  }
0x42: {  	_ =	shalt  }
0x43: {  	_ =	shalt  }
0x44: {  	_ =	shalt  }
0x45: {  	_ =	shalt  }
0x46: {  	_ =	shalt  }
0x47: {  	_ =	shalt  }
0x48: {  	_ =	shalt  }
0x49: {  	_ =	shalt  }
0x4a: {  	_ =	shalt  }
0x4b: {  	_ =	shalt  }
0x4c: {  	_ =	shalt  }
0x4d: {  	_ =	shalt  }
0x4e: {  	_ =	shalt  }
0x4f: {  	_ =	shalt  }
0x50: {  	_ =	shalt  }
0x51: {  	_ =	shalt  }
0x52: {  	_ =	shalt  }
0x53: {  	_ =	shalt  }
0x54: {  	_ =	shalt  }
0x55: {  	_ =	shalt  }
0x56: {  	_ =	shalt  }
0x57: {  	_ =	shalt  }
0x58: {  	_ =	shalt  }
0x59: {  	_ =	shalt  }
0x5a: {  	_ =	shalt  }
0x5b: {  	_ =	shalt  }
0x5c: {  	_ =	shalt  }
0x5d: {  	_ =	shalt  }
0x5e: {  	_ =	shalt  }
0x5f: {  	_ =	shalt  }
0x60: {  	_ =	shalt  }
0x61: {  	_ =	shalt  }
0x62: {  	_ =	shalt  }
0x63: {  	_ =	shalt  }
0x64: {  	_ =	shalt  }
0x65: {  	_ =	shalt  }
0x66: {  	_ =	shalt  }
0x67: {  	_ =	shalt  }
0x68: {  	_ =	shalt  }
0x69: {  	_ =	shalt  }
0x6a: {  	_ =	shalt  }
0x6b: {  	_ =	shalt  }
0x6c: {  	_ =	shalt  }
0x6d: {  	_ =	shalt  }
0x6e: {  	_ =	shalt  }
0x6f: {  	_ =	shalt  }
0x70: {  	_ =	shalt  }
0x71: {  	_ =	shalt  }
0x72: {  	_ =	shalt  }
0x73: {  	_ =	shalt  }
0x74: {  	_ =	shalt  }
0x75: {  	_ =	shalt  }
0x76: {  	_ =	shalt  }
0x77: {  	_ =	shalt  }
0x78: {  	_ =	shalt  }
0x79: {  	_ =	shalt  }
0x7a: {  	_ =	shalt  }
0x7b: {  	_ =	shalt  }
0x7c: {  	_ =	shalt  }
0x7d: {  	_ =	shalt  }
0x7e: {  	_ =	shalt  }
0x7f: {  	_ =	shalt  }
0x80: {  	_ =	shalt  }
0x81: {  	_ =	shalt  }
0x82: {  	_ =	shalt  }
0x83: {  	_ =	shalt  }
0x84: {  	_ =	shalt  }
0x85: {  	_ =	shalt  }
0x86: {  	_ =	shalt  }
0x87: {  	_ =	shalt  }
.Lfunc_end0:
.L_simem_size_0:
called_computation_lowered:
.L_overlay_start_0:
0x88: {  	s2 =	sld [smem:$0x3FD9]  }
0x89: {  	s3 =	sld [smem:$0x3FFE];
	_ =	sdelay $0x1  }
0x8a: {  	s1 =	srdreg.scid  }
0x8b: {  	s0 =	sand.u32 $0x1, s1  }
0x8c: {  	s18 =	sshll.u32 s0, $0xA;
	s2 =	sadd.s32 s3, s2  }
0x8d: {  	s2 =	sadd.s32 s2, s18  }
0x8e: {  	[smem:$0x3FC6] =	sst s2  }
0x8f: {  	_ = 	snop  }
0x90: {  	s2 =	sld [smem:$0x3FC9]  }
0x91: {  	s19 =	sld [smem:$0x3FC8]  }
0x92: {  	s4 =	sld [smem:$0x3FD0];
	(tm) =	ssettm $0x1  }
0x93: {  	s5 =	sld [smem:$0x3FFB];
	_ =	sdelay $0x3  }
0x94: {  	_ =	strace s5  }
0x95: {  	s5 =	sld [smem:$0x3FFC];
	_ =	sdelay $0x3  }
0x96: {  	_ =	strace s5  }
0x97: {  	s5 =	sld [smem:$0x3FFD];
	_ =	sdelay $0x3  }
0x98: {  	_ =	strace s5  }
0x99: {  	_ =	strace $0x8FFFFFFF  }
0x9a: {  	s20 =	sld [smem:$0x3FDB];
	_ =	sdelay $0x1  }
0x9b: {  	s6 =	simm.s32 $_scs_section_size  }
0x9c: {  	s7 =	simm.s32 $_size__tile_overlayer_lowered;
	s8 =	simm.s32 $_tile_overlayer_lowered  }
0x9d: {  	s23 =	simm.s32 $0x1BFF;
	s22 =	sshll.u32 s8, $0x1;
	s5 =	sadd.s32 s6, s20  }
0x9e: {  	s9 =	simm.s32 $0x0;
	s21 =	sshll.u32 s7, $0x1;
	s7 =	sadd.s32 s22, s5  }
0x9f: {  	[timem:s9], [sflag:s23] =	dma.local [hbm:s7], s21  }
0xa0: {  	_ =	swait.ge [sflag:s23], s21  }
0xa1: {  	s6 =	ssub.s32 $0x0, s21;
	[sflag:s23] =	ssyncset.done $0x0  }
0xa2: {  	[sflag:s23] =	ssyncadd.s32 s6;
	_ =	sdelay $0x1  }
0xa3: {  	s24 =	simm.s32 $0x1B8B  }
0xa4: {  	_ =	swait.ge [sflag:s24], $0x1  }
0xa5: {  	[sflag:s24] =	ssyncset.done $0x0  }
0xa6: {  	s25 =	simm.s32 $0x1B8E;
	[sflag:s24] =	ssyncadd.s32 $0xFFFFFFFF  }
0xa7: {  	s26 =	simm.s32 $execute0_lowered;
	[smem:$0x3FD2] =	sst s25  }
0xa8: {  	s6 =	sshll.u32 s26, $0x1;
	_ =	strace $0x80000046;
	[dreg:$0x1] =	wrdreg $0xFFFFFFFF  }
0xa9: {  	s28 =	simm.s32 $_size_execute0_lowered;
	s5 =	sadd.s32 s5, s6;
	[dreg:$0x0] =	wrdreg $0x0  }
0xaa: {  	s6 =	sshll.u32 s28, $0x1;
	[dreg:$0x2] =	wrdreg s5  }
0xab: {  	[dreg:$0x3] =	wrdreg s6  }
0xac: {  	[dreg:$0x4] =	wrdreg $0xC0  }
0xad: {  	_ =	task [dreg:s9], $0x5FFFF  }
0xae: {  	[dreg:$0x1] =	wrdreg $0xFFFFFFFF  }
0xaf: {  	[dreg:$0x0] =	wrdreg $0x60  }
0xb0: {  	[dreg:$0x2] =	wrdreg s19  }
0xb1: {  	[dreg:$0x3] =	wrdreg s2  }
0xb2: {  	[dreg:$0x4] =	wrdreg s4  }
0xb3: {  	[dreg:$0x5] =	wrdreg $0x9  }
0xb4: {  	_ =	task.clear_ibuf [dreg:s9], $0x6FFFF;
	_ =	strace $0x90000046  }
0xb5: {  	s29 =	simm.s32 $0x9;
	_ =	strace $0x80000048  }
0xb6: {  	_ =	swait.ge [sflag:s29], $0x1  }
0xb7: {  	[sflag:s29] =	ssyncadd.s32 $0xFFFFFFFF  }
0xb8: {  	_ =	strace $0x90000048  }
0xb9: {  	_ =	sfence  }
0xba: {  	s30 =	sld [smem:$0x0];
	_ =	sdelay $0x2  }
0xbb: {  	s31 =	sshll.u32 s1, $0xD;
	s1 =	sshrl.u32 s1, $0x2  }
0xbc: {  	s3 =	sand.u32 $0x4000, s31;
	s1 =	sadd.s32 s1, s30  }
0xbd: {  	s0 =	sor.u32 s3, s0;
	s1 =	sshll.u32 s1, $0x11  }
0xbe: {  	s0 =	sor.u32 s1, s0  }
0xbf: {  	s0 =	sadd.s32 $0x8F2B, s0  }
0xc0: {  	[sflag:s0] =	ssyncadd.remote.s32 $0x1  }
0xc1: {  	_ =	sfence.sel $0xFFFF  }
0xc2: {  	[dreg:$0x0] =	wrdreg $0xFFFFFFFF;
	(pc) =	sbr.abs _section_cstart, $3  }
0xc3: {  	[dreg:$0x1] =	wrdreg $0xFFFFFFFF  }
0xc4: {  	_ =	task.clear_ibuf [dreg:s9], $0x2FFFF;
	_ =	strace $0x9FFFFFFF  }
0xc5: {  	(tm) =	ssettm $0x7FFFFFFF  }
tec
execute0_lowered:
.L_overlay_start_1:
0x0: {  	(tag) =	ssettag $0x1  }
0x1: {  	s1 =	rddreg [dreg:$0x0]  }
0x2: {  	s0 =	srdreg.scid;
	s2 =	rddreg [dreg:$0x1]  }
0x3: {  	s6 =	stileid.u32;
	s4 =	rddreg [dreg:$0x2]  }
0x4: {  	s25 =	simm.s32 $0x80;
	s0 =	sand.u32 $0x1, s0;
	s3 =	sshll.u32 s6, $0x9  }
0x5: {  	s6 =	sshrl.u32 s6, $0x2;
	s5 =	sshll.u32 s0, $0x8;
	s3 =	sand.u32 $0x600, s3  }
0x6: {  	s26 =	simm.s32 $0x200;
	s8 =	sshll.u32 s6, $0x7;
	s5 =	sor.u32 s5, s3  }
0x7: {  	s6 =	sshll.u32 s6, $0x12;
	s3 =	simm.s32 $0x0;
	s7 =	sshll.u32 s5, $0x2  }
0x8: {  	s5 =	sshll.u32 s5, $0x7;
	[smem:$0x7FF] =	sst s3;
	s7 =	sor.u32 s8, s7  }
0x9: {  	s5 =	sor.u32 s6, s5;
	_ =	strace $0x80000047;
	[dreg:$0x14] =	wrdreg s25  }
0xa: {  	[dreg:$0x15] =	wrdreg s26;
	s7 =	sshrl.u32 s7, $0x3;
	s6 =	sadd.s32 s4, s5  }
0xb: {  	s2 =	sadd.s32 s2, s7;
	[dreg:$0x16] =	wrdreg s6  }
0xc: {  	s9 =	sadd.s32 $0x800, s6;
	[dreg:$0x4] =	wrdreg s2  }
0xd: {  	s29 =	simm.s32 $0x8;
	s10 =	sadd.s32 $0x1000, s6;
	[dreg:$0x5] =	wrdreg s9  }
0xe: {  	s31 =	simm.s32 $0x9;
	s11 =	sadd.s32 $0x1800, s6;
	[dreg:$0x6] =	wrdreg s10  }
0xf: {  	s28 =	simm.s32 $0x8100;
	s12 =	sadd.s32 $0x2000, s6;
	[dreg:$0x7] =	wrdreg s11  }
0x10: {  	s30 =	simm.s32 $0x13900;
	s13 =	sadd.s32 $0x2800, s6;
	[dreg:$0x8] =	wrdreg s12  }
0x11: {  	s0 =	ssub.s32 $0x2, s0;
	s14 =	sadd.s32 $0x3000, s6;
	[dreg:$0x9] =	wrdreg s13  }
0x12: {  	s21 =	sshrl.u32 s0, $0x1;
	s15 =	sadd.s32 $0x3800, s6;
	[dreg:$0xa] =	wrdreg s14  }
0x13: {  	s0 =	ssub.s32 s0, s21;
	s16 =	sadd.s32 $0x4000, s6;
	[dreg:$0xb] =	wrdreg s15  }
0x14: {  	s21 =	simm.s32 $0x13100;
	s17 =	sadd.s32 $0x4800, s6;
	[dreg:$0xc] =	wrdreg s16  }
0x15: {  	s8 =	smax.u32 s0, $0x1;
	s18 =	sadd.s32 $0x5000, s6;
	[dreg:$0xd] =	wrdreg s17  }
0x16: {  	s25 =	simm.s32 $0x7;
	s19 =	sadd.s32 $0x5800, s6;
	[dreg:$0xe] =	wrdreg s18  }
0x17: {  	s26 =	simm.s32 $0x4100;
	s20 =	sadd.s32 $0x6000, s6;
	[dreg:$0xf] =	wrdreg s19  }
0x18: {  	s5 =	sadd.s32 $0x100, s1;
	s22 =	sadd.s32 $0x6800, s6;
	[dreg:$0x10] =	wrdreg s20  }
0x19: {  	s23 =	sadd.s32 $0x7000, s6;
	s24 =	sadd.s32 $0x7800, s6;
	[dreg:$0x11] =	wrdreg s22  }
0x1a: {  	s6 =	sadd.s32 $0x200, s1;
	s7 =	sadd.s32 $0x300, s1;
	[dreg:$0x12] =	wrdreg s23  }
0x1b: {  	[dreg:$0x13] =	wrdreg s24;
	s16 =	simm.s32 $0x1;
	s20 =	simm.s32 $0x2  }
0x1c: {  	v2 =	vlaneseq.u32;
	s22 =	simm.s32 $0x3;
	s24 =	simm.s32 $0x4;
	s2 =	simm.s32 $0xA  }
0x1d: {  	vm0 =	vmmov $0xffff;
	v1 =	vshrl.u32 v2, $0x3;
	s18 =	simm.s32 $0x100;
	s10 =	simm.s32 $0xC100;
	s11 =	simm.s32 $0x10100  }
0x1e: {  	v0 =	vand.u32 $0x7, v2;
	v2 =	vor.u32 $0x8, v2;
	v1 =	vmul.u32 $0x8, v1;
	s23 =	simm.s32 $0x10900;
	s17 =	simm.s32 $0x12100;
	s19 =	simm.s32 $0x12900  }
.LBB2_1:
0x1f: {  	s12 =	rddreg [dreg:$0x4]  }
0x20: {  	s13 =	rddreg [dreg:$0x14]  }
0x21: {  	s14 =	rddreg [dreg:$0x15];
	s4 =	simm.s32 $0xD  }
0x22: {  	[tilespmem:s3], [sflag:$0xD] =	stream.strided.gather [hbm4b:s12+s13], $0x100, s14, s13, $0x38;
	[tilespmem:$0x18100] =	vst v63  }
0x23: {  	_ =	swait.ge [sflag:s4], $0x100  }
0x24: {  	[sflag:s4] =	ssyncset.done $0x0  }
0x25: {  	[sflag:s4] =	ssyncadd.s32 $0xFFFFFF00  }
0x26: {  	v3 =	vld [tilespmem:$0x0];
	_ =	sdelay $0x4  }
0x27: {  	v4 =	vshll.u32 v3, $0x3  }
0x28: {  	v3 =	vand.u32 $0x7, v3;
	v4 =	vand.u32 $0xFFFFFFC0, v4  }
0x29: {  	v3 =	vor.u32 v3, v4  }
0x2a: {  	v4 =	vperm.xlane v3, v0;
	_ =	sdelay $0x1  }
0x2b: {  	v4 =	vadd.s32 v1, v4;
	_ =	sdelay $0x4  }
0x2c: {  	[tilespmem:s18], [sflag:$0x1] =	stream.indirect_vreg.gather [hbm4b:s1+s3], $0x80, v4, vm0, $0xb8;
	[tilespmem:$0x18100] =	vst v63  }
0x2d: {  	s0 =	simm.s32 $0x900;
	v3 =	vperm.xlane v3, v2  }
0x2e: {  	[tilespmem:s0], [sflag:$0x1] =	stream.indirect_vreg.gather [hbm4b:s5+s3], $0x80, v4, vm0, $0xb8;
	[tilespmem:$0x18100] =	vst v63  }
0x2f: {  	s9 =	simm.s32 $0x1100;
	v3 =	vadd.s32 v1, v3  }
0x30: {  	[tilespmem:s9], [sflag:$0x1] =	stream.indirect_vreg.gather [hbm4b:s6+s3], $0x80, v4, vm0, $0xb8;
	[tilespmem:$0x18100] =	vst v63  }
0x31: {  	s12 =	simm.s32 $0x1900  }
0x32: {  	[tilespmem:s12], [sflag:$0x1] =	stream.indirect_vreg.gather [hbm4b:s7+s3], $0x80, v4, vm0, $0xb8;
	[tilespmem:$0x18100] =	vst v63  }
0x33: {  	s13 =	simm.s32 $0x2100  }
0x34: {  	[tilespmem:s13], [sflag:$0x1] =	stream.indirect_vreg.gather [hbm4b:s1+s3], $0x80, v3, vm0, $0xb8;
	[tilespmem:$0x18100] =	vst v63  }
0x35: {  	s14 =	simm.s32 $0x2900  }
0x36: {  	[tilespmem:s14], [sflag:$0x1] =	stream.indirect_vreg.gather [hbm4b:s5+s3], $0x80, v3, vm0, $0xb8;
	[tilespmem:$0x18100] =	vst v63  }
0x37: {  	s9 =	simm.s32 $0x3100  }
0x38: {  	[tilespmem:s9], [sflag:$0x1] =	stream.indirect_vreg.gather [hbm4b:s6+s3], $0x80, v3, vm0, $0xb8;
	[tilespmem:$0x18100] =	vst v63  }
0x39: {  	s12 =	simm.s32 $0x3900  }
0x3a: {  	[tilespmem:s12], [sflag:$0x1] =	stream.indirect_vreg.gather [hbm4b:s7+s3], $0x80, v3, vm0, $0xb8;
	[tilespmem:$0x18100] =	vst v63  }
0x3b: {  	v3 =	vld [tilespmem:$0x10];
	_ =	sdelay $0x4  }
0x3c: {  	v49 =	vshll.u32 v3, $0x3  }
0x3d: {  	v3 =	vand.u32 $0x7, v3;
	v4 =	vand.u32 $0xFFFFFFC0, v49  }
0x3e: {  	v3 =	vor.u32 v3, v4  }
0x3f: {  	v4 =	vperm.xlane v3, v0;
	_ =	sdelay $0x1  }
0x40: {  	v4 =	vadd.s32 v1, v4;
	_ =	sdelay $0x4  }
0x41: {  	[tilespmem:s26], [sflag:$0x2] =	stream.indirect_vreg.gather [hbm4b:s1+s3], $0x80, v4, vm0, $0xb8;
	[tilespmem:$0x18100] =	vst v63  }
0x42: {  	s13 =	simm.s32 $0x4900;
	v3 =	vperm.xlane v3, v2  }
0x43: {  	[tilespmem:s13], [sflag:$0x2] =	stream.indirect_vreg.gather [hbm4b:s5+s3], $0x80, v4, vm0, $0xb8;
	[tilespmem:$0x18100] =	vst v63  }
0x44: {  	s14 =	simm.s32 $0x5100;
	v3 =	vadd.s32 v1, v3  }
0x45: {  	[tilespmem:s14], [sflag:$0x2] =	stream.indirect_vreg.gather [hbm4b:s6+s3], $0x80, v4, vm0, $0xb8;
	[tilespmem:$0x18100] =	vst v63  }
0x46: {  	s12 =	simm.s32 $0x5900  }
0x47: {  	[tilespmem:s12], [sflag:$0x2] =	stream.indirect_vreg.gather [hbm4b:s7+s3], $0x80, v4, vm0, $0xb8;
	[tilespmem:$0x18100] =	vst v63  }
0x48: {  	s13 =	simm.s32 $0x6100  }
0x49: {  	[tilespmem:s13], [sflag:$0x2] =	stream.indirect_vreg.gather [hbm4b:s1+s3], $0x80, v3, vm0, $0xb8;
	[tilespmem:$0x18100] =	vst v63  }
0x4a: {  	s14 =	simm.s32 $0x6900  }
0x4b: {  	[tilespmem:s14], [sflag:$0x2] =	stream.indirect_vreg.gather [hbm4b:s5+s3], $0x80, v3, vm0, $0xb8;
	[tilespmem:$0x18100] =	vst v63  }
0x4c: {  	s12 =	simm.s32 $0x7100  }
0x4d: {  	[tilespmem:s12], [sflag:$0x2] =	stream.indirect_vreg.gather [hbm4b:s6+s3], $0x80, v3, vm0, $0xb8;
	[tilespmem:$0x18100] =	vst v63  }
0x4e: {  	s13 =	simm.s32 $0x7900  }
0x4f: {  	[tilespmem:s13], [sflag:$0x2] =	stream.indirect_vreg.gather [hbm4b:s7+s3], $0x80, v3, vm0, $0xb8;
	[tilespmem:$0x18100] =	vst v63  }
0x50: {  	v3 =	vld [tilespmem:$0x20];
	_ =	sdelay $0x4  }
0x51: {  	v50 =	vshll.u32 v3, $0x3  }
0x52: {  	v3 =	vand.u32 $0x7, v3;
	v4 =	vand.u32 $0xFFFFFFC0, v50  }
0x53: {  	v3 =	vor.u32 v3, v4  }
0x54: {  	v4 =	vperm.xlane v3, v0;
	_ =	sdelay $0x1  }
0x55: {  	v4 =	vadd.s32 v1, v4;
	_ =	sdelay $0x4  }
0x56: {  	[tilespmem:s28], [sflag:$0x3] =	stream.indirect_vreg.gather [hbm4b:s1+s3], $0x80, v4, vm0, $0xb8;
	[tilespmem:$0x18100] =	vst v63  }
0x57: {  	s14 =	simm.s32 $0x8900;
	v3 =	vperm.xlane v3, v2  }
0x58: {  	[tilespmem:s14], [sflag:$0x3] =	stream.indirect_vreg.gather [hbm4b:s5+s3], $0x80, v4, vm0, $0xb8;
	[tilespmem:$0x18100] =	vst v63  }
0x59: {  	s12 =	simm.s32 $0x9100;
	v3 =	vadd.s32 v1, v3  }
0x5a: {  	[tilespmem:s12], [sflag:$0x3] =	stream.indirect_vreg.gather [hbm4b:s6+s3], $0x80, v4, vm0, $0xb8;
	[tilespmem:$0x18100] =	vst v63  }
0x5b: {  	s13 =	simm.s32 $0x9900  }
0x5c: {  	[tilespmem:s13], [sflag:$0x3] =	stream.indirect_vreg.gather [hbm4b:s7+s3], $0x80, v4, vm0, $0xb8;
	[tilespmem:$0x18100] =	vst v63  }
0x5d: {  	s14 =	simm.s32 $0xA100  }
0x5e: {  	[tilespmem:s14], [sflag:$0x3] =	stream.indirect_vreg.gather [hbm4b:s1+s3], $0x80, v3, vm0, $0xb8;
	[tilespmem:$0x18100] =	vst v63  }
0x5f: {  	s12 =	simm.s32 $0xA900  }
0x60: {  	[tilespmem:s12], [sflag:$0x3] =	stream.indirect_vreg.gather [hbm4b:s5+s3], $0x80, v3, vm0, $0xb8;
	[tilespmem:$0x18100] =	vst v63  }
0x61: {  	s13 =	simm.s32 $0xB100  }
0x62: {  	[tilespmem:s13], [sflag:$0x3] =	stream.indirect_vreg.gather [hbm4b:s6+s3], $0x80, v3, vm0, $0xb8;
	[tilespmem:$0x18100] =	vst v63  }
0x63: {  	s14 =	simm.s32 $0xB900  }
0x64: {  	[tilespmem:s14], [sflag:$0x3] =	stream.indirect_vreg.gather [hbm4b:s7+s3], $0x80, v3, vm0, $0xb8;
	[tilespmem:$0x18100] =	vst v63  }
0x65: {  	_ =	swait.ge [sflag:s16], $0x4000  }
0x66: {  	[sflag:s16] =	ssyncset.done $0x0  }
0x67: {  	s0 =	rddreg [dreg:$0x16];
	[sflag:s16] =	ssyncadd.s32 $0xFFFFC000  }
0x68: {  	[hbm4b:s0+s3] =	stream.linear.scatter [tilespmem:s18], [sflag:$0x7], $0x4000, $0x38;
	[tilespmem:$0x18100] =	vst v63  }
0x69: {  	v3 =	vld [tilespmem:$0x30];
	_ =	sdelay $0x4  }
0x6a: {  	v51 =	vshll.u32 v3, $0x3  }
0x6b: {  	v3 =	vand.u32 $0x7, v3;
	v4 =	vand.u32 $0xFFFFFFC0, v51  }
0x6c: {  	v3 =	vor.u32 v3, v4  }
0x6d: {  	v4 =	vperm.xlane v3, v0;
	_ =	sdelay $0x1  }
0x6e: {  	v4 =	vadd.s32 v1, v4;
	_ =	sdelay $0x4  }
0x6f: {  	[tilespmem:s10], [sflag:$0x4] =	stream.indirect_vreg.gather [hbm4b:s1+s3], $0x80, v4, vm0, $0xb8;
	[tilespmem:$0x18100] =	vst v63  }
0x70: {  	s13 =	simm.s32 $0xC900;
	v3 =	vperm.xlane v3, v2  }
0x71: {  	[tilespmem:s13], [sflag:$0x4] =	stream.indirect_vreg.gather [hbm4b:s5+s3], $0x80, v4, vm0, $0xb8;
	[tilespmem:$0x18100] =	vst v63  }
0x72: {  	s14 =	simm.s32 $0xD100;
	v3 =	vadd.s32 v1, v3  }
0x73: {  	[tilespmem:s14], [sflag:$0x4] =	stream.indirect_vreg.gather [hbm4b:s6+s3], $0x80, v4, vm0, $0xb8;
	[tilespmem:$0x18100] =	vst v63  }
0x74: {  	s12 =	simm.s32 $0xD900  }
0x75: {  	[tilespmem:s12], [sflag:$0x4] =	stream.indirect_vreg.gather [hbm4b:s7+s3], $0x80, v4, vm0, $0xb8;
	[tilespmem:$0x18100] =	vst v63  }
0x76: {  	s13 =	simm.s32 $0xE100  }
0x77: {  	[tilespmem:s13], [sflag:$0x4] =	stream.indirect_vreg.gather [hbm4b:s1+s3], $0x80, v3, vm0, $0xb8;
	[tilespmem:$0x18100] =	vst v63  }
0x78: {  	s14 =	simm.s32 $0xE900  }
0x79: {  	[tilespmem:s14], [sflag:$0x4] =	stream.indirect_vreg.gather [hbm4b:s5+s3], $0x80, v3, vm0, $0xb8;
	[tilespmem:$0x18100] =	vst v63  }
0x7a: {  	s12 =	simm.s32 $0xF100  }
0x7b: {  	[tilespmem:s12], [sflag:$0x4] =	stream.indirect_vreg.gather [hbm4b:s6+s3], $0x80, v3, vm0, $0xb8;
	[tilespmem:$0x18100] =	vst v63  }
0x7c: {  	s13 =	simm.s32 $0xF900  }
0x7d: {  	[tilespmem:s13], [sflag:$0x4] =	stream.indirect_vreg.gather [hbm4b:s7+s3], $0x80, v3, vm0, $0xb8;
	[tilespmem:$0x18100] =	vst v63  }
0x7e: {  	_ =	swait.ge [sflag:s20], $0x4000  }
0x7f: {  	[sflag:s20] =	ssyncset.done $0x0  }
0x80: {  	s14 =	rddreg [dreg:$0x5];
	[sflag:s20] =	ssyncadd.s32 $0xFFFFC000  }
0x81: {  	[hbm4b:s14+s3] =	stream.linear.scatter [tilespmem:s26], [sflag:$0x8], $0x4000, $0x38;
	[tilespmem:$0x18100] =	vst v63  }
0x82: {  	v3 =	vld [tilespmem:$0x40];
	_ =	sdelay $0x4  }
0x83: {  	v52 =	vshll.u32 v3, $0x3  }
0x84: {  	v3 =	vand.u32 $0x7, v3;
	v4 =	vand.u32 $0xFFFFFFC0, v52  }
0x85: {  	v3 =	vor.u32 v3, v4  }
0x86: {  	v4 =	vperm.xlane v3, v0;
	_ =	sdelay $0x1  }
0x87: {  	v4 =	vadd.s32 v1, v4;
	_ =	sdelay $0x4  }
0x88: {  	[tilespmem:s11], [sflag:$0x5] =	stream.indirect_vreg.gather [hbm4b:s1+s3], $0x80, v4, vm0, $0xb8;
	[tilespmem:$0x18100] =	vst v63  }
0x89: {  	v3 =	vperm.xlane v3, v2  }
0x8a: {  	[tilespmem:s23], [sflag:$0x5] =	stream.indirect_vreg.gather [hbm4b:s5+s3], $0x80, v4, vm0, $0xb8;
	[tilespmem:$0x18100] =	vst v63  }
0x8b: {  	s13 =	simm.s32 $0x11100;
	v3 =	vadd.s32 v1, v3  }
0x8c: {  	[tilespmem:s13], [sflag:$0x5] =	stream.indirect_vreg.gather [hbm4b:s6+s3], $0x80, v4, vm0, $0xb8;
	[tilespmem:$0x18100] =	vst v63  }
0x8d: {  	s14 =	simm.s32 $0x11900  }
0x8e: {  	[tilespmem:s14], [sflag:$0x5] =	stream.indirect_vreg.gather [hbm4b:s7+s3], $0x80, v4, vm0, $0xb8;
	[tilespmem:$0x18100] =	vst v63  }
0x8f: {  	_ = 	snop  }
0x90: {  	[tilespmem:s17], [sflag:$0x5] =	stream.indirect_vreg.gather [hbm4b:s1+s3], $0x80, v3, vm0, $0xb8;
	[tilespmem:$0x18100] =	vst v63  }
0x91: {  	_ = 	snop  }
0x92: {  	[tilespmem:s19], [sflag:$0x5] =	stream.indirect_vreg.gather [hbm4b:s5+s3], $0x80, v3, vm0, $0xb8;
	[tilespmem:$0x18100] =	vst v63  }
0x93: {  	_ = 	snop  }
0x94: {  	[tilespmem:s21], [sflag:$0x5] =	stream.indirect_vreg.gather [hbm4b:s6+s3], $0x80, v3, vm0, $0xb8;
	[tilespmem:$0x18100] =	vst v63  }
0x95: {  	_ = 	snop  }
0x96: {  	[tilespmem:s30], [sflag:$0x5] =	stream.indirect_vreg.gather [hbm4b:s7+s3], $0x80, v3, vm0, $0xb8;
	[tilespmem:$0x18100] =	vst v63  }
0x97: {  	_ =	swait.ge [sflag:s22], $0x4000  }
0x98: {  	[sflag:s22] =	ssyncset.done $0x0  }
0x99: {  	s0 =	rddreg [dreg:$0x6];
	[sflag:s22] =	ssyncadd.s32 $0xFFFFC000  }
0x9a: {  	[hbm4b:s0+s3] =	stream.linear.scatter [tilespmem:s28], [sflag:$0x9], $0x4000, $0x38;
	[tilespmem:$0x18100] =	vst v63  }
0x9b: {  	v3 =	vld [tilespmem:$0x50];
	_ =	sdelay $0x4  }
0x9c: {  	v53 =	vshll.u32 v3, $0x3  }
0x9d: {  	v3 =	vand.u32 $0x7, v3;
	v4 =	vand.u32 $0xFFFFFFC0, v53  }
0x9e: {  	v3 =	vor.u32 v3, v4  }
0x9f: {  	v4 =	vperm.xlane v3, v0;
	_ =	sdelay $0x1  }
0xa0: {  	v4 =	vadd.s32 v1, v4;
	_ =	sdelay $0x3  }
0xa1: {  	s0 =	simm.s32 $0x14100  }
0xa2: {  	[tilespmem:s0], [sflag:$0x6] =	stream.indirect_vreg.gather [hbm4b:s1+s3], $0x80, v4, vm0, $0xb8;
	[tilespmem:$0x18100] =	vst v63  }
0xa3: {  	s12 =	simm.s32 $0x14900;
	v3 =	vperm.xlane v3, v2  }
0xa4: {  	[tilespmem:s12], [sflag:$0x6] =	stream.indirect_vreg.gather [hbm4b:s5+s3], $0x80, v4, vm0, $0xb8;
	[tilespmem:$0x18100] =	vst v63  }
0xa5: {  	v3 =	vadd.s32 v1, v3;
	s12 =	simm.s32 $0x15100  }
0xa6: {  	[tilespmem:s12], [sflag:$0x6] =	stream.indirect_vreg.gather [hbm4b:s6+s3], $0x80, v4, vm0, $0xb8;
	[tilespmem:$0x18100] =	vst v63  }
0xa7: {  	s12 =	simm.s32 $0x15900  }
0xa8: {  	[tilespmem:s12], [sflag:$0x6] =	stream.indirect_vreg.gather [hbm4b:s7+s3], $0x80, v4, vm0, $0xb8;
	[tilespmem:$0x18100] =	vst v63  }
0xa9: {  	s12 =	simm.s32 $0x16100  }
0xaa: {  	[tilespmem:s12], [sflag:$0x6] =	stream.indirect_vreg.gather [hbm4b:s1+s3], $0x80, v3, vm0, $0xb8;
	[tilespmem:$0x18100] =	vst v63  }
0xab: {  	s12 =	simm.s32 $0x16900  }
0xac: {  	[tilespmem:s12], [sflag:$0x6] =	stream.indirect_vreg.gather [hbm4b:s5+s3], $0x80, v3, vm0, $0xb8;
	[tilespmem:$0x18100] =	vst v63  }
0xad: {  	s12 =	simm.s32 $0x17100  }
0xae: {  	[tilespmem:s12], [sflag:$0x6] =	stream.indirect_vreg.gather [hbm4b:s6+s3], $0x80, v3, vm0, $0xb8;
	[tilespmem:$0x18100] =	vst v63  }
0xaf: {  	s12 =	simm.s32 $0x17900  }
0xb0: {  	[tilespmem:s12], [sflag:$0x6] =	stream.indirect_vreg.gather [hbm4b:s7+s3], $0x80, v3, vm0, $0xb8;
	[tilespmem:$0x18100] =	vst v63  }
0xb1: {  	_ =	swait.ge [sflag:s24], $0x4000  }
0xb2: {  	[sflag:s24] =	ssyncset.done $0x0  }
0xb3: {  	s12 =	rddreg [dreg:$0x7];
	[sflag:s24] =	ssyncadd.s32 $0xFFFFC000  }
0xb4: {  	[hbm4b:s12+s3] =	stream.linear.scatter [tilespmem:s10], [sflag:$0xA], $0x4000, $0x38;
	[tilespmem:$0x18100] =	vst v63  }
0xb5: {  	_ =	swait.ge [sflag:s25], $0x4000  }
0xb6: {  	[sflag:s25] =	ssyncset.done $0x0  }
0xb7: {  	[sflag:s25] =	ssyncadd.s32 $0xFFFFC000  }
0xb8: {  	v3 =	vld [tilespmem:$0x60];
	_ =	sdelay $0x4  }
0xb9: {  	v54 =	vshll.u32 v3, $0x3  }
0xba: {  	v3 =	vand.u32 $0x7, v3;
	v4 =	vand.u32 $0xFFFFFFC0, v54  }
0xbb: {  	v3 =	vor.u32 v3, v4  }
0xbc: {  	v4 =	vperm.xlane v3, v0;
	_ =	sdelay $0x1  }
0xbd: {  	v4 =	vadd.s32 v1, v4;
	_ =	sdelay $0x4  }
0xbe: {  	[tilespmem:s18], [sflag:$0x1] =	stream.indirect_vreg.gather [hbm4b:s1+s3], $0x80, v4, vm0, $0xb8;
	[tilespmem:$0x18100] =	vst v63  }
0xbf: {  	s4 =	simm.s32 $0x900;
	v3 =	vperm.xlane v3, v2  }
0xc0: {  	[tilespmem:s4], [sflag:$0x1] =	stream.indirect_vreg.gather [hbm4b:s5+s3], $0x80, v4, vm0, $0xb8;
	[tilespmem:$0x18100] =	vst v63  }
0xc1: {  	s12 =	simm.s32 $0x1100;
	v3 =	vadd.s32 v1, v3  }
0xc2: {  	[tilespmem:s12], [sflag:$0x1] =	stream.indirect_vreg.gather [hbm4b:s6+s3], $0x80, v4, vm0, $0xb8;
	[tilespmem:$0x18100] =	vst v63  }
0xc3: {  	s12 =	simm.s32 $0x1900  }
0xc4: {  	[tilespmem:s12], [sflag:$0x1] =	stream.indirect_vreg.gather [hbm4b:s7+s3], $0x80, v4, vm0, $0xb8;
	[tilespmem:$0x18100] =	vst v63  }
0xc5: {  	s15 =	simm.s32 $0x2100  }
0xc6: {  	[tilespmem:s15], [sflag:$0x1] =	stream.indirect_vreg.gather [hbm4b:s1+s3], $0x80, v3, vm0, $0xb8;
	[tilespmem:$0x18100] =	vst v63  }
0xc7: {  	s12 =	simm.s32 $0x2900  }
0xc8: {  	[tilespmem:s12], [sflag:$0x1] =	stream.indirect_vreg.gather [hbm4b:s5+s3], $0x80, v3, vm0, $0xb8;
	[tilespmem:$0x18100] =	vst v63  }
0xc9: {  	s15 =	simm.s32 $0x3100  }
0xca: {  	[tilespmem:s15], [sflag:$0x1] =	stream.indirect_vreg.gather [hbm4b:s6+s3], $0x80, v3, vm0, $0xb8;
	[tilespmem:$0x18100] =	vst v63  }
0xcb: {  	s9 =	simm.s32 $0x3900  }
0xcc: {  	[tilespmem:s9], [sflag:$0x1] =	stream.indirect_vreg.gather [hbm4b:s7+s3], $0x80, v3, vm0, $0xb8;
	[tilespmem:$0x18100] =	vst v63  }
0xcd: {  	s9 =	simm.s32 $0x5  }
0xce: {  	_ =	swait.ge [sflag:s9], $0x4000  }
0xcf: {  	[sflag:s9] =	ssyncset.done $0x0  }
0xd0: {  	s4 =	rddreg [dreg:$0x8];
	[sflag:s9] =	ssyncadd.s32 $0xFFFFC000  }
0xd1: {  	[hbm4b:s4+s3] =	stream.linear.scatter [tilespmem:s11], [sflag:$0xB], $0x4000, $0x38;
	[tilespmem:$0x18100] =	vst v63  }
0xd2: {  	_ =	swait.ge [sflag:s29], $0x4000  }
0xd3: {  	[sflag:s29] =	ssyncset.done $0x0  }
0xd4: {  	[sflag:s29] =	ssyncadd.s32 $0xFFFFC000  }
0xd5: {  	v3 =	vld [tilespmem:$0x70];
	_ =	sdelay $0x4  }
0xd6: {  	v55 =	vshll.u32 v3, $0x3  }
0xd7: {  	v3 =	vand.u32 $0x7, v3;
	v4 =	vand.u32 $0xFFFFFFC0, v55  }
0xd8: {  	v3 =	vor.u32 v3, v4  }
0xd9: {  	v4 =	vperm.xlane v3, v0;
	_ =	sdelay $0x1  }
0xda: {  	v4 =	vadd.s32 v1, v4;
	_ =	sdelay $0x4  }
0xdb: {  	[tilespmem:s26], [sflag:$0x2] =	stream.indirect_vreg.gather [hbm4b:s1+s3], $0x80, v4, vm0, $0xb8;
	[tilespmem:$0x18100] =	vst v63  }
0xdc: {  	s12 =	simm.s32 $0x4900;
	v3 =	vperm.xlane v3, v2  }
0xdd: {  	[tilespmem:s12], [sflag:$0x2] =	stream.indirect_vreg.gather [hbm4b:s5+s3], $0x80, v4, vm0, $0xb8;
	[tilespmem:$0x18100] =	vst v63  }
0xde: {  	s15 =	simm.s32 $0x5100;
	v3 =	vadd.s32 v1, v3  }
0xdf: {  	[tilespmem:s15], [sflag:$0x2] =	stream.indirect_vreg.gather [hbm4b:s6+s3], $0x80, v4, vm0, $0xb8;
	[tilespmem:$0x18100] =	vst v63  }
0xe0: {  	s12 =	simm.s32 $0x5900  }
0xe1: {  	[tilespmem:s12], [sflag:$0x2] =	stream.indirect_vreg.gather [hbm4b:s7+s3], $0x80, v4, vm0, $0xb8;
	[tilespmem:$0x18100] =	vst v63  }
0xe2: {  	s15 =	simm.s32 $0x6100  }
0xe3: {  	[tilespmem:s15], [sflag:$0x2] =	stream.indirect_vreg.gather [hbm4b:s1+s3], $0x80, v3, vm0, $0xb8;
	[tilespmem:$0x18100] =	vst v63  }
0xe4: {  	s12 =	simm.s32 $0x6900  }
0xe5: {  	[tilespmem:s12], [sflag:$0x2] =	stream.indirect_vreg.gather [hbm4b:s5+s3], $0x80, v3, vm0, $0xb8;
	[tilespmem:$0x18100] =	vst v63  }
0xe6: {  	s15 =	simm.s32 $0x7100  }
0xe7: {  	[tilespmem:s15], [sflag:$0x2] =	stream.indirect_vreg.gather [hbm4b:s6+s3], $0x80, v3, vm0, $0xb8;
	[tilespmem:$0x18100] =	vst v63  }
0xe8: {  	s4 =	simm.s32 $0x6;
	s12 =	simm.s32 $0x7900  }
0xe9: {  	[tilespmem:s12], [sflag:$0x2] =	stream.indirect_vreg.gather [hbm4b:s7+s3], $0x80, v3, vm0, $0xb8;
	[tilespmem:$0x18100] =	vst v63  }
0xea: {  	_ =	swait.ge [sflag:s4], $0x4000  }
0xeb: {  	[sflag:s4] =	ssyncset.done $0x0  }
0xec: {  	s15 =	rddreg [dreg:$0x9];
	[sflag:s4] =	ssyncadd.s32 $0xFFFFC000  }
0xed: {  	[hbm4b:s15+s3] =	stream.linear.scatter [tilespmem:s0], [sflag:$0xC], $0x4000, $0x38;
	[tilespmem:$0x18100] =	vst v63  }
0xee: {  	_ =	swait.ge [sflag:s31], $0x4000  }
0xef: {  	[sflag:s31] =	ssyncset.done $0x0  }
0xf0: {  	[sflag:s31] =	ssyncadd.s32 $0xFFFFC000  }
0xf1: {  	v3 =	vld [tilespmem:$0x80];
	_ =	sdelay $0x4  }
0xf2: {  	v56 =	vshll.u32 v3, $0x3  }
0xf3: {  	v3 =	vand.u32 $0x7, v3;
	v4 =	vand.u32 $0xFFFFFFC0, v56  }
0xf4: {  	v3 =	vor.u32 v3, v4  }
0xf5: {  	v4 =	vperm.xlane v3, v0;
	_ =	sdelay $0x1  }
0xf6: {  	v4 =	vadd.s32 v1, v4;
	_ =	sdelay $0x4  }
0xf7: {  	[tilespmem:s28], [sflag:$0x3] =	stream.indirect_vreg.gather [hbm4b:s1+s3], $0x80, v4, vm0, $0xb8;
	[tilespmem:$0x18100] =	vst v63  }
0xf8: {  	s15 =	simm.s32 $0x8900;
	v3 =	vperm.xlane v3, v2  }
0xf9: {  	[tilespmem:s15], [sflag:$0x3] =	stream.indirect_vreg.gather [hbm4b:s5+s3], $0x80, v4, vm0, $0xb8;
	[tilespmem:$0x18100] =	vst v63  }
0xfa: {  	v3 =	vadd.s32 v1, v3;
	s15 =	simm.s32 $0x9100  }
0xfb: {  	[tilespmem:s15], [sflag:$0x3] =	stream.indirect_vreg.gather [hbm4b:s6+s3], $0x80, v4, vm0, $0xb8;
	[tilespmem:$0x18100] =	vst v63  }
0xfc: {  	s15 =	simm.s32 $0x9900  }
0xfd: {  	[tilespmem:s15], [sflag:$0x3] =	stream.indirect_vreg.gather [hbm4b:s7+s3], $0x80, v4, vm0, $0xb8;
	[tilespmem:$0x18100] =	vst v63  }
0xfe: {  	s15 =	simm.s32 $0xA100  }
0xff: {  	[tilespmem:s15], [sflag:$0x3] =	stream.indirect_vreg.gather [hbm4b:s1+s3], $0x80, v3, vm0, $0xb8;
	[tilespmem:$0x18100] =	vst v63  }
0x100: {  	s15 =	simm.s32 $0xA900  }
0x101: {  	[tilespmem:s15], [sflag:$0x3] =	stream.indirect_vreg.gather [hbm4b:s5+s3], $0x80, v3, vm0, $0xb8;
	[tilespmem:$0x18100] =	vst v63  }
0x102: {  	s15 =	simm.s32 $0xB100  }
0x103: {  	[tilespmem:s15], [sflag:$0x3] =	stream.indirect_vreg.gather [hbm4b:s6+s3], $0x80, v3, vm0, $0xb8;
	[tilespmem:$0x18100] =	vst v63  }
0x104: {  	s15 =	simm.s32 $0xB900  }
0x105: {  	[tilespmem:s15], [sflag:$0x3] =	stream.indirect_vreg.gather [hbm4b:s7+s3], $0x80, v3, vm0, $0xb8;
	[tilespmem:$0x18100] =	vst v63  }
0x106: {  	_ =	swait.ge [sflag:s16], $0x4000  }
0x107: {  	[sflag:s16] =	ssyncset.done $0x0  }
0x108: {  	s15 =	rddreg [dreg:$0xa];
	[sflag:s16] =	ssyncadd.s32 $0xFFFFC000  }
0x109: {  	[hbm4b:s15+s3] =	stream.linear.scatter [tilespmem:s18], [sflag:$0x7], $0x4000, $0x38;
	[tilespmem:$0x18100] =	vst v63  }
0x10a: {  	_ =	swait.ge [sflag:s2], $0x4000  }
0x10b: {  	[sflag:s2] =	ssyncset.done $0x0  }
0x10c: {  	[sflag:s2] =	ssyncadd.s32 $0xFFFFC000  }
0x10d: {  	v3 =	vld [tilespmem:$0x90];
	_ =	sdelay $0x4  }
0x10e: {  	v57 =	vshll.u32 v3, $0x3  }
0x10f: {  	v3 =	vand.u32 $0x7, v3;
	v4 =	vand.u32 $0xFFFFFFC0, v57  }
0x110: {  	v3 =	vor.u32 v3, v4  }
0x111: {  	v4 =	vperm.xlane v3, v0;
	_ =	sdelay $0x1  }
0x112: {  	v4 =	vadd.s32 v1, v4;
	_ =	sdelay $0x4  }
0x113: {  	[tilespmem:s10], [sflag:$0x4] =	stream.indirect_vreg.gather [hbm4b:s1+s3], $0x80, v4, vm0, $0xb8;
	[tilespmem:$0x18100] =	vst v63  }
0x114: {  	s15 =	simm.s32 $0xC900;
	v3 =	vperm.xlane v3, v2  }
0x115: {  	[tilespmem:s15], [sflag:$0x4] =	stream.indirect_vreg.gather [hbm4b:s5+s3], $0x80, v4, vm0, $0xb8;
	[tilespmem:$0x18100] =	vst v63  }
0x116: {  	v3 =	vadd.s32 v1, v3;
	s15 =	simm.s32 $0xD100  }
0x117: {  	[tilespmem:s15], [sflag:$0x4] =	stream.indirect_vreg.gather [hbm4b:s6+s3], $0x80, v4, vm0, $0xb8;
	[tilespmem:$0x18100] =	vst v63  }
0x118: {  	s15 =	simm.s32 $0xD900  }
0x119: {  	[tilespmem:s15], [sflag:$0x4] =	stream.indirect_vreg.gather [hbm4b:s7+s3], $0x80, v4, vm0, $0xb8;
	[tilespmem:$0x18100] =	vst v63  }
0x11a: {  	s15 =	simm.s32 $0xE100  }
0x11b: {  	[tilespmem:s15], [sflag:$0x4] =	stream.indirect_vreg.gather [hbm4b:s1+s3], $0x80, v3, vm0, $0xb8;
	[tilespmem:$0x18100] =	vst v63  }
0x11c: {  	s15 =	simm.s32 $0xE900  }
0x11d: {  	[tilespmem:s15], [sflag:$0x4] =	stream.indirect_vreg.gather [hbm4b:s5+s3], $0x80, v3, vm0, $0xb8;
	[tilespmem:$0x18100] =	vst v63  }
0x11e: {  	s15 =	simm.s32 $0xF100  }
0x11f: {  	[tilespmem:s15], [sflag:$0x4] =	stream.indirect_vreg.gather [hbm4b:s6+s3], $0x80, v3, vm0, $0xb8;
	[tilespmem:$0x18100] =	vst v63  }
0x120: {  	s15 =	simm.s32 $0xF900  }
0x121: {  	[tilespmem:s15], [sflag:$0x4] =	stream.indirect_vreg.gather [hbm4b:s7+s3], $0x80, v3, vm0, $0xb8;
	[tilespmem:$0x18100] =	vst v63  }
0x122: {  	_ =	swait.ge [sflag:s20], $0x4000  }
0x123: {  	[sflag:s20] =	ssyncset.done $0x0  }
0x124: {  	s15 =	rddreg [dreg:$0xb];
	[sflag:s20] =	ssyncadd.s32 $0xFFFFC000  }
0x125: {  	[hbm4b:s15+s3] =	stream.linear.scatter [tilespmem:s26], [sflag:$0x8], $0x4000, $0x38;
	[tilespmem:$0x18100] =	vst v63  }
0x126: {  	s15 =	simm.s32 $0xB  }
0x127: {  	_ =	swait.ge [sflag:s15], $0x4000  }
0x128: {  	[sflag:s15] =	ssyncset.done $0x0  }
0x129: {  	[sflag:s15] =	ssyncadd.s32 $0xFFFFC000  }
0x12a: {  	v3 =	vld [tilespmem:$0xA0];
	_ =	sdelay $0x4  }
0x12b: {  	v58 =	vshll.u32 v3, $0x3  }
0x12c: {  	v3 =	vand.u32 $0x7, v3;
	v4 =	vand.u32 $0xFFFFFFC0, v58  }
0x12d: {  	v3 =	vor.u32 v3, v4  }
0x12e: {  	v4 =	vperm.xlane v3, v0;
	_ =	sdelay $0x1  }
0x12f: {  	v4 =	vadd.s32 v1, v4;
	_ =	sdelay $0x4  }
0x130: {  	[tilespmem:s11], [sflag:$0x5] =	stream.indirect_vreg.gather [hbm4b:s1+s3], $0x80, v4, vm0, $0xb8;
	[tilespmem:$0x18100] =	vst v63  }
0x131: {  	v3 =	vperm.xlane v3, v2  }
0x132: {  	[tilespmem:s23], [sflag:$0x5] =	stream.indirect_vreg.gather [hbm4b:s5+s3], $0x80, v4, vm0, $0xb8;
	[tilespmem:$0x18100] =	vst v63  }
0x133: {  	v3 =	vadd.s32 v1, v3  }
0x134: {  	[tilespmem:s13], [sflag:$0x5] =	stream.indirect_vreg.gather [hbm4b:s6+s3], $0x80, v4, vm0, $0xb8;
	[tilespmem:$0x18100] =	vst v63  }
0x135: {  	_ = 	snop  }
0x136: {  	[tilespmem:s14], [sflag:$0x5] =	stream.indirect_vreg.gather [hbm4b:s7+s3], $0x80, v4, vm0, $0xb8;
	[tilespmem:$0x18100] =	vst v63  }
0x137: {  	_ = 	snop  }
0x138: {  	[tilespmem:s17], [sflag:$0x5] =	stream.indirect_vreg.gather [hbm4b:s1+s3], $0x80, v3, vm0, $0xb8;
	[tilespmem:$0x18100] =	vst v63  }
0x139: {  	_ = 	snop  }
0x13a: {  	[tilespmem:s19], [sflag:$0x5] =	stream.indirect_vreg.gather [hbm4b:s5+s3], $0x80, v3, vm0, $0xb8;
	[tilespmem:$0x18100] =	vst v63  }
0x13b: {  	_ = 	snop  }
0x13c: {  	[tilespmem:s21], [sflag:$0x5] =	stream.indirect_vreg.gather [hbm4b:s6+s3], $0x80, v3, vm0, $0xb8;
	[tilespmem:$0x18100] =	vst v63  }
0x13d: {  	_ = 	snop  }
0x13e: {  	[tilespmem:s30], [sflag:$0x5] =	stream.indirect_vreg.gather [hbm4b:s7+s3], $0x80, v3, vm0, $0xb8;
	[tilespmem:$0x18100] =	vst v63  }
0x13f: {  	_ =	swait.ge [sflag:s22], $0x4000  }
0x140: {  	[sflag:s22] =	ssyncset.done $0x0  }
0x141: {  	s13 =	rddreg [dreg:$0xc];
	[sflag:s22] =	ssyncadd.s32 $0xFFFFC000  }
0x142: {  	[hbm4b:s13+s3] =	stream.linear.scatter [tilespmem:s28], [sflag:$0x9], $0x4000, $0x38;
	[tilespmem:$0x18100] =	vst v63  }
0x143: {  	s13 =	simm.s32 $0xC  }
0x144: {  	_ =	swait.ge [sflag:s13], $0x4000  }
0x145: {  	[sflag:s13] =	ssyncset.done $0x0  }
0x146: {  	[sflag:s13] =	ssyncadd.s32 $0xFFFFC000  }
0x147: {  	v3 =	vld [tilespmem:$0xB0];
	_ =	sdelay $0x4  }
0x148: {  	v59 =	vshll.u32 v3, $0x3  }
0x149: {  	v3 =	vand.u32 $0x7, v3;
	v4 =	vand.u32 $0xFFFFFFC0, v59  }
0x14a: {  	v3 =	vor.u32 v3, v4  }
0x14b: {  	v4 =	vperm.xlane v3, v0;
	_ =	sdelay $0x1  }
0x14c: {  	v4 =	vadd.s32 v1, v4;
	_ =	sdelay $0x4  }
0x14d: {  	[tilespmem:s0], [sflag:$0x6] =	stream.indirect_vreg.gather [hbm4b:s1+s3], $0x80, v4, vm0, $0xb8;
	[tilespmem:$0x18100] =	vst v63  }
0x14e: {  	s14 =	simm.s32 $0x14900;
	v3 =	vperm.xlane v3, v2  }
0x14f: {  	[tilespmem:s14], [sflag:$0x6] =	stream.indirect_vreg.gather [hbm4b:s5+s3], $0x80, v4, vm0, $0xb8;
	[tilespmem:$0x18100] =	vst v63  }
0x150: {  	v3 =	vadd.s32 v1, v3;
	s14 =	simm.s32 $0x15100  }
0x151: {  	[tilespmem:s14], [sflag:$0x6] =	stream.indirect_vreg.gather [hbm4b:s6+s3], $0x80, v4, vm0, $0xb8;
	[tilespmem:$0x18100] =	vst v63  }
0x152: {  	s14 =	simm.s32 $0x15900  }
0x153: {  	[tilespmem:s14], [sflag:$0x6] =	stream.indirect_vreg.gather [hbm4b:s7+s3], $0x80, v4, vm0, $0xb8;
	[tilespmem:$0x18100] =	vst v63  }
0x154: {  	s14 =	simm.s32 $0x16100  }
0x155: {  	[tilespmem:s14], [sflag:$0x6] =	stream.indirect_vreg.gather [hbm4b:s1+s3], $0x80, v3, vm0, $0xb8;
	[tilespmem:$0x18100] =	vst v63  }
0x156: {  	s14 =	simm.s32 $0x16900  }
0x157: {  	[tilespmem:s14], [sflag:$0x6] =	stream.indirect_vreg.gather [hbm4b:s5+s3], $0x80, v3, vm0, $0xb8;
	[tilespmem:$0x18100] =	vst v63  }
0x158: {  	s14 =	simm.s32 $0x17100  }
0x159: {  	[tilespmem:s14], [sflag:$0x6] =	stream.indirect_vreg.gather [hbm4b:s6+s3], $0x80, v3, vm0, $0xb8;
	[tilespmem:$0x18100] =	vst v63  }
0x15a: {  	s14 =	simm.s32 $0x17900  }
0x15b: {  	[tilespmem:s14], [sflag:$0x6] =	stream.indirect_vreg.gather [hbm4b:s7+s3], $0x80, v3, vm0, $0xb8;
	[tilespmem:$0x18100] =	vst v63  }
0x15c: {  	_ =	swait.ge [sflag:s24], $0x4000  }
0x15d: {  	[sflag:s24] =	ssyncset.done $0x0  }
0x15e: {  	s14 =	rddreg [dreg:$0xd];
	[sflag:s24] =	ssyncadd.s32 $0xFFFFC000  }
0x15f: {  	[hbm4b:s14+s3] =	stream.linear.scatter [tilespmem:s10], [sflag:$0xA], $0x4000, $0x38;
	[tilespmem:$0x18100] =	vst v63  }
0x160: {  	_ =	swait.ge [sflag:s25], $0x4000  }
0x161: {  	[sflag:s25] =	ssyncset.done $0x0  }
0x162: {  	[sflag:s25] =	ssyncadd.s32 $0xFFFFC000  }
0x163: {  	v3 =	vld [tilespmem:$0xC0];
	_ =	sdelay $0x4  }
0x164: {  	v60 =	vshll.u32 v3, $0x3  }
0x165: {  	v3 =	vand.u32 $0x7, v3;
	v4 =	vand.u32 $0xFFFFFFC0, v60  }
0x166: {  	v3 =	vor.u32 v3, v4  }
0x167: {  	v4 =	vperm.xlane v3, v0;
	_ =	sdelay $0x1  }
0x168: {  	v4 =	vadd.s32 v1, v4;
	_ =	sdelay $0x4  }
0x169: {  	[tilespmem:s18], [sflag:$0x1] =	stream.indirect_vreg.gather [hbm4b:s1+s3], $0x80, v4, vm0, $0xb8;
	[tilespmem:$0x18100] =	vst v63  }
0x16a: {  	s14 =	simm.s32 $0x900;
	v3 =	vperm.xlane v3, v2  }
0x16b: {  	[tilespmem:s14], [sflag:$0x1] =	stream.indirect_vreg.gather [hbm4b:s5+s3], $0x80, v4, vm0, $0xb8;
	[tilespmem:$0x18100] =	vst v63  }
0x16c: {  	v3 =	vadd.s32 v1, v3;
	s14 =	simm.s32 $0x1100  }
0x16d: {  	[tilespmem:s14], [sflag:$0x1] =	stream.indirect_vreg.gather [hbm4b:s6+s3], $0x80, v4, vm0, $0xb8;
	[tilespmem:$0x18100] =	vst v63  }
0x16e: {  	s14 =	simm.s32 $0x1900  }
0x16f: {  	[tilespmem:s14], [sflag:$0x1] =	stream.indirect_vreg.gather [hbm4b:s7+s3], $0x80, v4, vm0, $0xb8;
	[tilespmem:$0x18100] =	vst v63  }
0x170: {  	s14 =	simm.s32 $0x2100  }
0x171: {  	[tilespmem:s14], [sflag:$0x1] =	stream.indirect_vreg.gather [hbm4b:s1+s3], $0x80, v3, vm0, $0xb8;
	[tilespmem:$0x18100] =	vst v63  }
0x172: {  	s14 =	simm.s32 $0x2900  }
0x173: {  	[tilespmem:s14], [sflag:$0x1] =	stream.indirect_vreg.gather [hbm4b:s5+s3], $0x80, v3, vm0, $0xb8;
	[tilespmem:$0x18100] =	vst v63  }
0x174: {  	s14 =	simm.s32 $0x3100  }
0x175: {  	[tilespmem:s14], [sflag:$0x1] =	stream.indirect_vreg.gather [hbm4b:s6+s3], $0x80, v3, vm0, $0xb8;
	[tilespmem:$0x18100] =	vst v63  }
0x176: {  	s14 =	simm.s32 $0x3900  }
0x177: {  	[tilespmem:s14], [sflag:$0x1] =	stream.indirect_vreg.gather [hbm4b:s7+s3], $0x80, v3, vm0, $0xb8;
	[tilespmem:$0x18100] =	vst v63  }
0x178: {  	_ =	swait.ge [sflag:s9], $0x4000  }
0x179: {  	[sflag:s9] =	ssyncset.done $0x0  }
0x17a: {  	s14 =	rddreg [dreg:$0xe];
	[sflag:s9] =	ssyncadd.s32 $0xFFFFC000  }
0x17b: {  	[hbm4b:s14+s3] =	stream.linear.scatter [tilespmem:s11], [sflag:$0xB], $0x4000, $0x38;
	[tilespmem:$0x18100] =	vst v63  }
0x17c: {  	_ =	swait.ge [sflag:s29], $0x4000  }
0x17d: {  	[sflag:s29] =	ssyncset.done $0x0  }
0x17e: {  	[sflag:s29] =	ssyncadd.s32 $0xFFFFC000  }
0x17f: {  	v3 =	vld [tilespmem:$0xD0];
	_ =	sdelay $0x4  }
0x180: {  	v61 =	vshll.u32 v3, $0x3  }
0x181: {  	v3 =	vand.u32 $0x7, v3;
	v4 =	vand.u32 $0xFFFFFFC0, v61  }
0x182: {  	v3 =	vor.u32 v3, v4  }
0x183: {  	v4 =	vperm.xlane v3, v0;
	_ =	sdelay $0x1  }
0x184: {  	v4 =	vadd.s32 v1, v4;
	_ =	sdelay $0x4  }
0x185: {  	[tilespmem:s26], [sflag:$0x2] =	stream.indirect_vreg.gather [hbm4b:s1+s3], $0x80, v4, vm0, $0xb8;
	[tilespmem:$0x18100] =	vst v63  }
0x186: {  	s12 =	simm.s32 $0x4900;
	v3 =	vperm.xlane v3, v2  }
0x187: {  	[tilespmem:s12], [sflag:$0x2] =	stream.indirect_vreg.gather [hbm4b:s5+s3], $0x80, v4, vm0, $0xb8;
	[tilespmem:$0x18100] =	vst v63  }
0x188: {  	s14 =	simm.s32 $0x5100;
	v3 =	vadd.s32 v1, v3  }
0x189: {  	[tilespmem:s14], [sflag:$0x2] =	stream.indirect_vreg.gather [hbm4b:s6+s3], $0x80, v4, vm0, $0xb8;
	[tilespmem:$0x18100] =	vst v63  }
0x18a: {  	s12 =	simm.s32 $0x5900  }
0x18b: {  	[tilespmem:s12], [sflag:$0x2] =	stream.indirect_vreg.gather [hbm4b:s7+s3], $0x80, v4, vm0, $0xb8;
	[tilespmem:$0x18100] =	vst v63  }
0x18c: {  	s14 =	simm.s32 $0x6100  }
0x18d: {  	[tilespmem:s14], [sflag:$0x2] =	stream.indirect_vreg.gather [hbm4b:s1+s3], $0x80, v3, vm0, $0xb8;
	[tilespmem:$0x18100] =	vst v63  }
0x18e: {  	s12 =	simm.s32 $0x6900  }
0x18f: {  	[tilespmem:s12], [sflag:$0x2] =	stream.indirect_vreg.gather [hbm4b:s5+s3], $0x80, v3, vm0, $0xb8;
	[tilespmem:$0x18100] =	vst v63  }
0x190: {  	s14 =	simm.s32 $0x7100  }
0x191: {  	[tilespmem:s14], [sflag:$0x2] =	stream.indirect_vreg.gather [hbm4b:s6+s3], $0x80, v3, vm0, $0xb8;
	[tilespmem:$0x18100] =	vst v63  }
0x192: {  	s12 =	simm.s32 $0x7900  }
0x193: {  	[tilespmem:s12], [sflag:$0x2] =	stream.indirect_vreg.gather [hbm4b:s7+s3], $0x80, v3, vm0, $0xb8;
	[tilespmem:$0x18100] =	vst v63  }
0x194: {  	_ =	swait.ge [sflag:s4], $0x4000  }
0x195: {  	[sflag:s4] =	ssyncset.done $0x0  }
0x196: {  	s14 =	rddreg [dreg:$0xf];
	[sflag:s4] =	ssyncadd.s32 $0xFFFFC000  }
0x197: {  	[hbm4b:s14+s3] =	stream.linear.scatter [tilespmem:s0], [sflag:$0xC], $0x4000, $0x38;
	[tilespmem:$0x18100] =	vst v63  }
0x198: {  	_ =	swait.ge [sflag:s31], $0x4000  }
0x199: {  	[sflag:s31] =	ssyncset.done $0x0  }
0x19a: {  	[sflag:s31] =	ssyncadd.s32 $0xFFFFC000  }
0x19b: {  	v3 =	vld [tilespmem:$0xE0];
	_ =	sdelay $0x4  }
0x19c: {  	v62 =	vshll.u32 v3, $0x3  }
0x19d: {  	v3 =	vand.u32 $0x7, v3;
	v4 =	vand.u32 $0xFFFFFFC0, v62  }
0x19e: {  	v3 =	vor.u32 v3, v4  }
0x19f: {  	v4 =	vperm.xlane v3, v0;
	_ =	sdelay $0x1  }
0x1a0: {  	v4 =	vadd.s32 v1, v4;
	_ =	sdelay $0x4  }
0x1a1: {  	[tilespmem:s28], [sflag:$0x3] =	stream.indirect_vreg.gather [hbm4b:s1+s3], $0x80, v4, vm0, $0xb8;
	[tilespmem:$0x18100] =	vst v63  }
0x1a2: {  	s9 =	simm.s32 $0x8900;
	v3 =	vperm.xlane v3, v2  }
0x1a3: {  	[tilespmem:s9], [sflag:$0x3] =	stream.indirect_vreg.gather [hbm4b:s5+s3], $0x80, v4, vm0, $0xb8;
	[tilespmem:$0x18100] =	vst v63  }
0x1a4: {  	s12 =	simm.s32 $0x9100;
	v3 =	vadd.s32 v1, v3  }
0x1a5: {  	[tilespmem:s12], [sflag:$0x3] =	stream.indirect_vreg.gather [hbm4b:s6+s3], $0x80, v4, vm0, $0xb8;
	[tilespmem:$0x18100] =	vst v63  }
0x1a6: {  	s14 =	simm.s32 $0x9900  }
0x1a7: {  	[tilespmem:s14], [sflag:$0x3] =	stream.indirect_vreg.gather [hbm4b:s7+s3], $0x80, v4, vm0, $0xb8;
	[tilespmem:$0x18100] =	vst v63  }
0x1a8: {  	s4 =	simm.s32 $0xA100  }
0x1a9: {  	[tilespmem:s4], [sflag:$0x3] =	stream.indirect_vreg.gather [hbm4b:s1+s3], $0x80, v3, vm0, $0xb8;
	[tilespmem:$0x18100] =	vst v63  }
0x1aa: {  	s9 =	simm.s32 $0xA900  }
0x1ab: {  	[tilespmem:s9], [sflag:$0x3] =	stream.indirect_vreg.gather [hbm4b:s5+s3], $0x80, v3, vm0, $0xb8;
	[tilespmem:$0x18100] =	vst v63  }
0x1ac: {  	s12 =	simm.s32 $0xB100  }
0x1ad: {  	[tilespmem:s12], [sflag:$0x3] =	stream.indirect_vreg.gather [hbm4b:s6+s3], $0x80, v3, vm0, $0xb8;
	[tilespmem:$0x18100] =	vst v63  }
0x1ae: {  	s14 =	simm.s32 $0xB900  }
0x1af: {  	[tilespmem:s14], [sflag:$0x3] =	stream.indirect_vreg.gather [hbm4b:s7+s3], $0x80, v3, vm0, $0xb8;
	[tilespmem:$0x18100] =	vst v63  }
0x1b0: {  	_ =	swait.ge [sflag:s16], $0x4000  }
0x1b1: {  	[sflag:s16] =	ssyncset.done $0x0  }
0x1b2: {  	s4 =	rddreg [dreg:$0x10];
	[sflag:s16] =	ssyncadd.s32 $0xFFFFC000  }
0x1b3: {  	[hbm4b:s4+s3] =	stream.linear.scatter [tilespmem:s18], [sflag:$0x7], $0x4000, $0x38;
	[tilespmem:$0x18100] =	vst v63  }
0x1b4: {  	_ =	swait.ge [sflag:s2], $0x4000  }
0x1b5: {  	[sflag:s2] =	ssyncset.done $0x0  }
0x1b6: {  	[sflag:s2] =	ssyncadd.s32 $0xFFFFC000  }
0x1b7: {  	v3 =	vld [tilespmem:$0xF0];
	_ =	sdelay $0x4  }
0x1b8: {  	v63 =	vshll.u32 v3, $0x3  }
0x1b9: {  	v3 =	vand.u32 $0x7, v3;
	v4 =	vand.u32 $0xFFFFFFC0, v63  }
0x1ba: {  	v3 =	vor.u32 v3, v4  }
0x1bb: {  	v4 =	vperm.xlane v3, v0;
	_ =	sdelay $0x1  }
0x1bc: {  	v4 =	vadd.s32 v1, v4;
	_ =	sdelay $0x4  }
0x1bd: {  	[tilespmem:s10], [sflag:$0x4] =	stream.indirect_vreg.gather [hbm4b:s1+s3], $0x80, v4, vm0, $0xb8;
	[tilespmem:$0x18100] =	vst v63  }
0x1be: {  	s9 =	simm.s32 $0xC900;
	v3 =	vperm.xlane v3, v2  }
0x1bf: {  	[tilespmem:s9], [sflag:$0x4] =	stream.indirect_vreg.gather [hbm4b:s5+s3], $0x80, v4, vm0, $0xb8;
	[tilespmem:$0x18100] =	vst v63  }
0x1c0: {  	s12 =	simm.s32 $0xD100;
	v3 =	vadd.s32 v1, v3  }
0x1c1: {  	[tilespmem:s12], [sflag:$0x4] =	stream.indirect_vreg.gather [hbm4b:s6+s3], $0x80, v4, vm0, $0xb8;
	[tilespmem:$0x18100] =	vst v63  }
0x1c2: {  	s14 =	simm.s32 $0xD900  }
0x1c3: {  	[tilespmem:s14], [sflag:$0x4] =	stream.indirect_vreg.gather [hbm4b:s7+s3], $0x80, v4, vm0, $0xb8;
	[tilespmem:$0x18100] =	vst v63  }
0x1c4: {  	s4 =	simm.s32 $0xE100  }
0x1c5: {  	[tilespmem:s4], [sflag:$0x4] =	stream.indirect_vreg.gather [hbm4b:s1+s3], $0x80, v3, vm0, $0xb8;
	[tilespmem:$0x18100] =	vst v63  }
0x1c6: {  	s9 =	simm.s32 $0xE900  }
0x1c7: {  	[tilespmem:s9], [sflag:$0x4] =	stream.indirect_vreg.gather [hbm4b:s5+s3], $0x80, v3, vm0, $0xb8;
	[tilespmem:$0x18100] =	vst v63  }
0x1c8: {  	s12 =	simm.s32 $0xF100  }
0x1c9: {  	[tilespmem:s12], [sflag:$0x4] =	stream.indirect_vreg.gather [hbm4b:s6+s3], $0x80, v3, vm0, $0xb8;
	[tilespmem:$0x18100] =	vst v63  }
0x1ca: {  	s14 =	simm.s32 $0xF900  }
0x1cb: {  	[tilespmem:s14], [sflag:$0x4] =	stream.indirect_vreg.gather [hbm4b:s7+s3], $0x80, v3, vm0, $0xb8;
	[tilespmem:$0x18100] =	vst v63  }
0x1cc: {  	_ =	swait.ge [sflag:s20], $0x4000  }
0x1cd: {  	[sflag:s20] =	ssyncset.done $0x0  }
0x1ce: {  	s4 =	rddreg [dreg:$0x11];
	[sflag:s20] =	ssyncadd.s32 $0xFFFFC000  }
0x1cf: {  	[hbm4b:s4+s3] =	stream.linear.scatter [tilespmem:s26], [sflag:$0x8], $0x4000, $0x38;
	[tilespmem:$0x18100] =	vst v63  }
0x1d0: {  	_ =	swait.ge [sflag:s22], $0x4000  }
0x1d1: {  	[sflag:s22] =	ssyncset.done $0x0  }
0x1d2: {  	s9 =	rddreg [dreg:$0x12];
	[sflag:s22] =	ssyncadd.s32 $0xFFFFC000  }
0x1d3: {  	[hbm4b:s9+s3] =	stream.linear.scatter [tilespmem:s28], [sflag:$0x9], $0x4000, $0x38;
	[tilespmem:$0x18100] =	vst v63  }
0x1d4: {  	_ =	swait.ge [sflag:s24], $0x4000  }
0x1d5: {  	[sflag:s24] =	ssyncset.done $0x0  }
0x1d6: {  	s14 =	rddreg [dreg:$0x13];
	[sflag:s24] =	ssyncadd.s32 $0xFFFFC000  }
0x1d7: {  	[hbm4b:s14+s3] =	stream.linear.scatter [tilespmem:s10], [sflag:$0xA], $0x4000, $0x38;
	[tilespmem:$0x18100] =	vst v63  }
0x1d8: {  	_ =	swait.ge [sflag:s15], $0x4000  }
0x1d9: {  	[sflag:s15] =	ssyncset.done $0x0  }
0x1da: {  	[sflag:s15] =	ssyncadd.s32 $0xFFFFC000  }
0x1db: {  	_ =	swait.ge [sflag:s13], $0x4000  }
0x1dc: {  	[sflag:s13] =	ssyncset.done $0x0  }
0x1dd: {  	[sflag:s13] =	ssyncadd.s32 $0xFFFFC000  }
0x1de: {  	_ =	swait.ge [sflag:s25], $0x4000  }
0x1df: {  	[sflag:s25] =	ssyncset.done $0x0  }
0x1e0: {  	[sflag:s25] =	ssyncadd.s32 $0xFFFFC000  }
0x1e1: {  	_ =	swait.ge [sflag:s29], $0x4000  }
0x1e2: {  	[sflag:s29] =	ssyncset.done $0x0  }
0x1e3: {  	[sflag:s29] =	ssyncadd.s32 $0xFFFFC000  }
0x1e4: {  	p0 =	sne.s32 s8, $0x1;
	_ =	swait.ge [sflag:s31], $0x4000  }
.Ltmp0:
0x1e5: {  	[sflag:s31] =	ssyncset.done $0x0;
	(pc) =	sbr.rel @p0 .LBB2_1-.Ltmp0, $4  }
0x1e6: {  	[sflag:s31] =	ssyncadd.s32 $0xFFFFC000  }
0x1e7: {  	_ =	swait.ge [sflag:s2], $0x4000  }
0x1e8: {  	[sflag:s2] =	ssyncset.done $0x0  }
0x1e9: {  	s8 =	sadd.s32 $0xFFFFFFFF, s8;
	[sflag:s2] =	ssyncadd.s32 $0xFFFFC000  }
0x1ea: {  	_ =	sfence.sel $0x180000  }
0x1eb: {  	[bflag:$0x0] =	sbarrier.arrive $0xFFFF  }
0x1ec: {  	_ =	strace $0x90000047  }
0x1ed: {  	s0 =	stileid.u32;
	[bflag:$0x2] =	sbarrier.arrive $0xFFFF  }
0x1ee: {  	p0 =	sne.s32 s0, $0x0;
	s0 =	rddreg [dreg:$0x3]  }
0x1ef: {  	s0 =	sadd.s32 @!p0 $0x100000, s0  }
0x1f0: {  	[sflag:s0] =	ssyncadd.tile.s32 @!p0 $0x1;
	_ =	shalt  }
.Lfunc_end2:
_tile_overlayer_lowered:
.L_overlay_start_2:
0x1f1: {  	(tag) =	ssettag $0x2  }
0x1f2: {  	s0 =	rddreg [dreg:$0x0];
	s2 =	stileid.u32  }
0x1f3: {  	s1 =	rddreg [dreg:$0x1];
	p0 =	sne.s32 s2, $0x0  }
0x1f4: {  	s3 =	rddreg [dreg:$0x2];
	[bflag:$0x3] =	sbarrier.arrive $0xFFFF;
	s2 =	simm.s32 @!p0 $0x1C0D  }
0x1f5: {  	[timem:s3], [sflag:s2] =	dma.local @!p0 [hbm:s0], s1  }
0x1f6: {  	s0 =	simm.s32 @!p0 $0xD  }
0x1f7: {  	_ =	swait.ge @!p0 [sflag:s0], s1  }
0x1f8: {  	s1 =	ssub.s32 @!p0 $0x0, s1;
	[sflag:s0] =	ssyncset.done @!p0 $0x0  }
0x1f9: {  	[sflag:s0] =	ssyncadd.s32 @!p0 s1  }
0x1fa: {  	[bflag:$0x3] =	sbarrier.arrive $0xFFFF  }
0x1fb: {  	_ =	shalt  }

</sc_bundles>
